<compile_context>
chip_gen: v7x
topology: tpu7x:2x2x1
jax: 0.10.2.dev20260603
libtpu: 0.0.44.dev20260713+nightly
codegen_flags: <defaults>
</compile_context>

<pallas_src>
import functools

import jax
import jax.numpy as jnp
from jax import lax
from jax.experimental import pallas as pl
from jax.experimental.pallas import tpu as pltpu
from jax.experimental.pallas import tpu_sc as plsc

N = 10000
E = 320000
D = 128
H1 = 64
H2 = 32

NP = 10240

NC = 2
NS = 16
NW = NC * NS
CH = 128
CPW = 80
EPAD = NW * CPW * CH
RPT = NP // NS
HR = NP // 16
CR = HR // NS

_DUMMY = N


def _gelu(x):
    return 0.5 * x * (1.0 + lax.erf(x * 0.7071067811865476))



_BLK = 2048
_GRID = NP // _BLK


def _tc1_body(x_ref, w_ref, b_ref, o_ref):
    y = jnp.dot(x_ref[...], w_ref[...], preferred_element_type=jnp.float32)
    o_ref[...] = _gelu(y + b_ref[...])


def _tc2_body(x_ref, p0_ref, p1_ref, c0_ref, c1_ref, wux_ref, wua_ref,
              bu_ref, w2_ref, b2_ref, h1_ref, t2_ref):
    ps = p0_ref[0] + p1_ref[0]
    cnt = c0_ref[0] + c1_ref[0]
    agg = ps / jnp.maximum(cnt, 1.0)
    h1 = _gelu(jnp.dot(x_ref[...], wux_ref[...], preferred_element_type=jnp.float32)
               + jnp.dot(agg, wua_ref[...], preferred_element_type=jnp.float32)
               + bu_ref[...])
    h1_ref[...] = h1
    y2 = jnp.dot(h1, w2_ref[...], preferred_element_type=jnp.float32) + b2_ref[...]
    t2_ref[...] = _gelu(y2)


def _tc3_body(h1_ref, p0_ref, p1_ref, c0_ref, c1_ref, wux_ref, wua_ref,
              bu_ref, d1w_ref, d1b_ref, d2w_ref, d2b_ref, o_ref):
    ps = p0_ref[0] + p1_ref[0]
    cnt = c0_ref[0] + c1_ref[0]
    agg = ps / jnp.maximum(cnt, 1.0)
    h2 = _gelu(jnp.dot(h1_ref[...], wux_ref[...], preferred_element_type=jnp.float32)
               + jnp.dot(agg, wua_ref[...], preferred_element_type=jnp.float32)
               + bu_ref[...])
    y = jax.nn.relu(jnp.dot(h2, d1w_ref[...], preferred_element_type=jnp.float32)
                    + d1b_ref[...])
    z = jnp.sum(y * d2w_ref[...], axis=1, keepdims=True) + d2b_ref[...]
    o_ref[...] = jax.nn.sigmoid(z)


def _row_spec(w):
    return pl.BlockSpec((_BLK, w), lambda i: (i, 0))


def _core_spec(w, core):
    return pl.BlockSpec((1, _BLK, w), lambda i, c=core: (c, i, 0))


def _full_spec(shape):
    return pl.BlockSpec(shape, lambda i: tuple(0 for _ in shape))


def _tc1(x, w, b):
    return pl.pallas_call(
        _tc1_body,
        grid=(_GRID,),
        in_specs=[_row_spec(D), _full_spec(w.shape), _full_spec(b.shape)],
        out_specs=_row_spec(H1),
        out_shape=jax.ShapeDtypeStruct((NP, H1), jnp.float32),
    )(x, w, b)


def _tc2(x, p0, p1, c0, c1, wux, wua, bu, w2, b2):
    return pl.pallas_call(
        _tc2_body,
        grid=(_GRID,),
        in_specs=[_row_spec(D), _core_spec(H1, 0), _core_spec(H1, 1),
                  _core_spec(1, 0), _core_spec(1, 1),
                  _full_spec(wux.shape), _full_spec(wua.shape),
                  _full_spec(bu.shape), _full_spec(w2.shape),
                  _full_spec(b2.shape)],
        out_specs=[_row_spec(H1), _row_spec(H2)],
        out_shape=[jax.ShapeDtypeStruct((NP, H1), jnp.float32),
                   jax.ShapeDtypeStruct((NP, H2), jnp.float32)],
    )(x, p0, p1, c0, c1, wux, wua, bu, w2, b2)


def _tc3(h1, p0, p1, c0, c1, wux, wua, bu, d1w, d1b, d2w, d2b):
    return pl.pallas_call(
        _tc3_body,
        grid=(_GRID,),
        in_specs=[_row_spec(H1), _core_spec(H2, 0), _core_spec(H2, 1),
                  _core_spec(1, 0), _core_spec(1, 1),
                  _full_spec(wux.shape), _full_spec(wua.shape),
                  _full_spec(bu.shape), _full_spec(d1w.shape),
                  _full_spec(d1b.shape), _full_spec(d2w.shape),
                  _full_spec(d2b.shape)],
        out_specs=_row_spec(1),
        out_shape=jax.ShapeDtypeStruct((NP, 1), jnp.float32),
    )(h1, p0, p1, c0, c1, wux, wua, bu, d1w, d1b, d2w, d2b)



_MESH = plsc.VectorSubcoreMesh(core_axis_name="c", subcore_axis_name="s",
                               num_cores=NC, num_subcores=NS)


@functools.partial(
    pl.kernel,
    out_type=[jax.ShapeDtypeStruct((NC, NP, H1), jnp.float32),
              jax.ShapeDtypeStruct((NC, HR, 16), jnp.float32)],
    mesh=_MESH,
    compiler_params=pltpu.CompilerParams(use_tc_tiling_on_sc=False, needs_layout_passes=False),
    scratch_types=[
        pltpu.VMEM((CPW, CH), jnp.int32),
        pltpu.VMEM((CPW, CH), jnp.int32),
        pltpu.VMEM((CH, H1), jnp.float32),
        pltpu.VMEM((CH, H1), jnp.float32),
        pltpu.VMEM((HR, 16), jnp.float32),
        pltpu.VMEM((HR // CH, CH), jnp.int32),
        pltpu.VMEM_SHARED((NP, H1), jnp.float32),
        pltpu.VMEM_SHARED((NP, H1), jnp.float32),
        pltpu.VMEM_SHARED((HR, 16), jnp.float32),
        pltpu.SemaphoreType.DMA,
        pltpu.SemaphoreType.DMA,
        pltpu.SemaphoreType.DMA,
        pltpu.SemaphoreType.DMA,
    ],
)
def _edge1(tab, src, dst, zeros, zeros16, hrows, out, cnt_out,
           sidx, didx, rowsa, rowsb, hist, hidx, tsh, acc, cacc,
           semga, semgb, semsa, semsb):
    c = lax.axis_index("c")
    s = lax.axis_index("s")
    wid = s * NC + c
    pltpu.sync_copy(src.at[wid], sidx)
    pltpu.sync_copy(dst.at[wid], didx)
    pltpu.sync_copy(zeros16, hist)
    pltpu.sync_copy(hrows, hidx)
    pltpu.sync_copy(zeros.at[pl.ds(s * RPT, RPT)],
                    acc.at[pl.ds(s * RPT, RPT)])
    pltpu.sync_copy(zeros16.at[pl.ds(s * CR, CR)],
                    cacc.at[pl.ds(s * CR, CR)])
    pltpu.sync_copy(tab.at[pl.ds(s * RPT, RPT)],
                    tsh.at[pl.ds(s * RPT, RPT)])
    plsc.subcore_barrier()

    ones = jnp.ones((16,), jnp.float32)

    def _hist(j):
        for k in range(CH // 16):
            dd = didx[j, pl.ds(k * 16, 16)]
            plsc.addupdate_scatter(hist, [dd >> 4, dd & 15], ones)

    pltpu.async_copy(tsh.at[sidx.at[0]], rowsa, semga).wait()

    def body(h, carry):
        ja, jb = 2 * h, 2 * h + 1
        db = pltpu.async_copy(tsh.at[sidx.at[jb]], rowsb, semgb)
        sa = pltpu.async_copy(rowsa, acc.at[didx.at[ja]], semsa, add=True)
        _hist(ja)
        db.wait()
        sa.wait()
        jn = jnp.minimum(jb + 1, CPW - 1)
        da = pltpu.async_copy(tsh.at[sidx.at[jn]], rowsa, semga)
        sb = pltpu.async_copy(rowsb, acc.at[didx.at[jb]], semsb, add=True)
        _hist(jb)
        da.wait()
        sb.wait()
        return carry

    lax.fori_loop(0, CPW // 2, body, 0)

    for k in range(HR // CH):
        pltpu.sync_copy(hist.at[pl.ds(k * CH, CH)],
                        cacc.at[hidx.at[k]], add=True)
    plsc.subcore_barrier()
    pltpu.sync_copy(acc.at[pl.ds(s * RPT, RPT)],
                    out.at[c].at[pl.ds(s * RPT, RPT)])
    pltpu.sync_copy(cacc.at[pl.ds(s * CR, CR)],
                    cnt_out.at[c].at[pl.ds(s * CR, CR)])


@functools.partial(
    pl.kernel,
    out_type=jax.ShapeDtypeStruct((NC, NP, H2), jnp.float32),
    mesh=_MESH,
    compiler_params=pltpu.CompilerParams(use_tc_tiling_on_sc=False, needs_layout_passes=False),
    scratch_types=[
        pltpu.VMEM((CPW, CH), jnp.int32),
        pltpu.VMEM((CPW, CH), jnp.int32),
        pltpu.VMEM((CH, H2), jnp.float32),
        pltpu.VMEM((CH, H2), jnp.float32),
        pltpu.VMEM_SHARED((NP, H2), jnp.float32),
        pltpu.VMEM_SHARED((NP, H2), jnp.float32),
        pltpu.SemaphoreType.DMA,
        pltpu.SemaphoreType.DMA,
        pltpu.SemaphoreType.DMA,
        pltpu.SemaphoreType.DMA,
    ],
)
def _edge2(tab, src, dst, zeros, out, sidx, didx, rowsa, rowsb, tsh, acc,
           semga, semgb, semsa, semsb):
    c = lax.axis_index("c")
    s = lax.axis_index("s")
    wid = s * NC + c
    pltpu.sync_copy(src.at[wid], sidx)
    pltpu.sync_copy(dst.at[wid], didx)
    pltpu.sync_copy(zeros.at[pl.ds(s * RPT, RPT)],
                    acc.at[pl.ds(s * RPT, RPT)])
    pltpu.sync_copy(tab.at[pl.ds(s * RPT, RPT)],
                    tsh.at[pl.ds(s * RPT, RPT)])
    plsc.subcore_barrier()

    pltpu.async_copy(tsh.at[sidx.at[0]], rowsa, semga).wait()

    def body(h, carry):
        ja, jb = 2 * h, 2 * h + 1
        db = pltpu.async_copy(tsh.at[sidx.at[jb]], rowsb, semgb)
        sa = pltpu.async_copy(rowsa, acc.at[didx.at[ja]], semsa, add=True)
        db.wait()
        sa.wait()
        jn = jnp.minimum(jb + 1, CPW - 1)
        da = pltpu.async_copy(tsh.at[sidx.at[jn]], rowsa, semga)
        sb = pltpu.async_copy(rowsb, acc.at[didx.at[jb]], semsb, add=True)
        da.wait()
        sb.wait()
        return carry

    lax.fori_loop(0, CPW // 2, body, 0)
    plsc.subcore_barrier()
    pltpu.sync_copy(acc.at[pl.ds(s * RPT, RPT)],
                    out.at[c].at[pl.ds(s * RPT, RPT)])




def _fold_bn(p, pref):
    s = p[pref + '_bn_gamma'] * lax.rsqrt(p[pref + '_bn_var'] + 1e-3)
    t = p[pref + '_bn_beta'] - p[pref + '_bn_mean'] * s
    w = p[pref + '_W'] * s[:, None]
    b = p[pref + '_b'] + t @ p[pref + '_W']
    return w, b


def kernel(inputs, adjacency_matrix, params):
    p = params
    x = jnp.pad(inputs, ((0, NP - N), (0, 0)))

    adj = adjacency_matrix.astype(jnp.int32)
    pad = jnp.full((EPAD - E,), _DUMMY, jnp.int32)
    dst3 = jnp.concatenate([adj[0], pad]).reshape(NW, CPW, CH)
    src3 = jnp.concatenate([adj[1], pad]).reshape(NW, CPW, CH)
    hrows = (jnp.arange(HR, dtype=jnp.int32)).reshape(HR // CH, CH)

    w1p, b1p = _fold_bn(p, 'c1_prep')
    b1p = b1p.reshape(1, H1)
    w1u, b1u = _fold_bn(p, 'c1_upd')
    w2p, b2p = _fold_bn(p, 'c2_prep')
    b2p = b2p.reshape(1, H2)
    w2u, b2u = _fold_bn(p, 'c2_upd')

    z64 = jnp.zeros((NP, H1), jnp.float32)
    z32 = jnp.zeros((NP, H2), jnp.float32)
    z16 = jnp.zeros((HR, 16), jnp.float32)

    tab1 = _tc1(x, w1p, b1p)
    ps1, cnt = _edge1(tab1, src3, dst3, z64, z16, hrows)
    cnt3 = cnt.reshape(NC, NP, 1)
    h1, tab2 = _tc2(x, ps1, ps1, cnt3, cnt3, w1u[:D], w1u[D:],
                    b1u.reshape(1, H1), w2p, b2p)
    ps2 = _edge2(tab2, src3, dst3, z32)
    out = _tc3(h1, ps2, ps2, cnt3, cnt3, w2u[:H1], w2u[H1:],
               b2u.reshape(1, H2), p['d1_W'], p['d1_b'].reshape(1, 128),
               p['d2_W'].reshape(1, 128), p['d2_b'].reshape(1, 1))
    return out[:N]

# --- scband reference (transcript-rebuilt; emitter-appended) ---
"""Pipeline reference for scband-baseline-gnn-38482906972370 (READ-ONLY COPY).

The authoritative reference and input builder live on the scoring server;
editing this copy changes nothing except your own understanding.
"""

import jax, jax.numpy as jnp
import numpy as np

N = 10000
E = 320000
D = 128
H1 = 64
H2 = 32


def _bn(x, p, pref):
    # Keras BatchNormalization in inference mode, epsilon=1e-3
    return (x - p[pref + '_mean']) / jnp.sqrt(p[pref + '_var'] + 1e-3) * p[pref + '_gamma'] + p[pref + '_beta']


def _ffn(x, p, pref):
    # create_ffn: BatchNorm -> Dropout(inference: identity) -> Dense(gelu)
    x = _bn(x, p, pref + '_bn')
    return jax.nn.gelu(x @ p[pref + '_W'] + p[pref + '_b'], approximate=False)


def _graph_conv(x, edges, p, pref):
    node_indices = edges[0]
    neighbour_indices = edges[1]
    neigh = jnp.take(x, neighbour_indices, axis=0)
    # prepare (edge_weights is None)
    msgs = _ffn(neigh, p, pref + '_prep')
    # aggregate: unsorted_segment_mean
    sums = jax.ops.segment_sum(msgs, node_indices, num_segments=x.shape[0])
    counts = jax.ops.segment_sum(jnp.ones((msgs.shape[0], 1), dtype=msgs.dtype), node_indices, num_segments=x.shape[0])
    agg = sums / jnp.maximum(counts, 1.0)
    # update: combination_type='concat'
    h = jnp.concatenate([x, agg], axis=1)
    return _ffn(h, p, pref + '_upd')


def _make_params():
    rng = np.random.RandomState(0)

    def dense(din, dout):
        return (jnp.asarray(rng.randn(din, dout).astype(np.float32) * 0.05), jnp.zeros((dout,), jnp.float32))

    def bn(d, pref, params):
        params[pref + '_gamma'] = jnp.ones((d,), jnp.float32)
        params[pref + '_beta'] = jnp.zeros((d,), jnp.float32)
        params[pref + '_mean'] = jnp.zeros((d,), jnp.float32)
        params[pref + '_var'] = jnp.ones((d,), jnp.float32)

    p = {}
    # conv1: prepare ffn D->H1, update ffn (D+H1)->H1
    bn(D, 'c1_prep_bn', p)
    p['c1_prep_W'], p['c1_prep_b'] = dense(D, H1)
    bn(D + H1, 'c1_upd_bn', p)
    p['c1_upd_W'], p['c1_upd_b'] = dense(D + H1, H1)
    # conv2: prepare ffn H1->H2, update ffn (H1+H2)->H2
    bn(H1, 'c2_prep_bn', p)
    p['c2_prep_W'], p['c2_prep_b'] = dense(H1, H2)
    bn(H1 + H2, 'c2_upd_bn', p)
    p['c2_upd_W'], p['c2_upd_b'] = dense(H1 + H2, H2)
    # dense head
    p['d1_W'], p['d1_b'] = dense(H2, 128)
    p['d2_W'], p['d2_b'] = dense(128, 1)
    return p


def setup_inputs(seed: int = 0) -> dict:
    key = jax.random.key(seed)
    k1, k2 = jax.random.split(key)
    inputs = jax.random.normal(k1, (N, D), dtype=jnp.float32)
    adjacency_matrix = jax.random.randint(k2, (2, E), 0, N, dtype=jnp.int64)
    return {'inputs': inputs, 'adjacency_matrix': adjacency_matrix, 'params': _make_params()}


def reference(inputs, adjacency_matrix, params):
    x = _graph_conv(inputs, adjacency_matrix, params, 'c1')
    x = _graph_conv(x, adjacency_matrix, params, 'c2')
    # Flatten on [N, H2] is identity
    x = jax.nn.relu(x @ params['d1_W'] + params['d1_b'])
    out = jax.nn.sigmoid(x @ params['d2_W'] + params['d2_b'])
    return out

if __name__ == "__main__":
    import jax
    _d = setup_inputs()
    print(jax.jit(kernel)(*tuple(_d.values())))

</pallas_src>

<mosaic_0001>
#map = affine_map<(d0, d1) -> (0, 0)>
#map1 = affine_map<(d0, d1) -> (0, 0, 0)>
module attributes {stable_mosaic.version = 14 : i64} {
  func.func @_edge1(%arg0: i32, %arg1: i32, %arg2: memref<10240x64xf32, #tpu.memory_space<hbm>>, %arg3: memref<32x80x128xi32, #tpu.memory_space<hbm>>, %arg4: memref<32x80x128xi32, #tpu.memory_space<hbm>>, %arg5: memref<10240x64xf32, #tpu.memory_space<hbm>>, %arg6: memref<640x16xf32, #tpu.memory_space<hbm>>, %arg7: memref<5x128xi32, #tpu.memory_space<hbm>>, %arg8: memref<2x10240x64xf32, #tpu.memory_space<hbm>>, %arg9: memref<2x640x16xf32, #tpu.memory_space<hbm>>, %arg10: memref<80x128xi32, #tpu.memory_space<vmem>>, %arg11: memref<80x128xi32, #tpu.memory_space<vmem>>, %arg12: memref<128x64xf32, #tpu.memory_space<vmem>>, %arg13: memref<128x64xf32, #tpu.memory_space<vmem>>, %arg14: memref<640x16xf32, #tpu.memory_space<vmem>>, %arg15: memref<5x128xi32, #tpu.memory_space<vmem>>, %arg16: memref<10240x64xf32, #tpu.memory_space<vmem_shared>>, %arg17: memref<10240x64xf32, #tpu.memory_space<vmem_shared>>, %arg18: memref<640x16xf32, #tpu.memory_space<vmem_shared>>, %arg19: memref<!tpu.dma_semaphore, #tpu.memory_space<semaphore_mem>>, %arg20: memref<!tpu.dma_semaphore, #tpu.memory_space<semaphore_mem>>, %arg21: memref<!tpu.dma_semaphore, #tpu.memory_space<semaphore_mem>>, %arg22: memref<!tpu.dma_semaphore, #tpu.memory_space<semaphore_mem>>) attributes {dimension_semantics = [#tpu.dimension_semantics<core_parallel>, #tpu.dimension_semantics<subcore_parallel>], iteration_bounds = array<i64: 2, 16>, scalar_prefetch = 0 : i64, scratch_operands = 13 : i64, tpu.core_type = #tpu.core_type<sc_vector_subcore>, window_params = [{transform_indices = #map}, {transform_indices = #map1}, {transform_indices = #map1}, {transform_indices = #map}, {transform_indices = #map}, {transform_indices = #map}, {transform_indices = #map1}, {transform_indices = #map1}]} {
    %mul3A = arith.constant 2 : i32
    %mul3A_0 = arith.muli %arg1, %mul3A : i32
    %add3A = arith.addi %mul3A_0, %arg0 : i32
    "tpu.region"() ({
      %run_scoped3A_44 = tpu.sem_alloc : memref<!tpu.dma_semaphore, #tpu.memory_space<semaphore_mem>>
      %dma_start3A_45 = arith.constant 0 : i32
      %dma_start3A_46 = arith.constant 0 : i32
      %dma_start3A_47 = tpu.memref_slice %arg3[%add3A, %dma_start3A_45, %dma_start3A_46] : memref<32x80x128xi32, #tpu.memory_space<hbm>> -> memref<1x80x128xi32, #tpu.memory_space<hbm>>
      %dma_start3A_48 = tpu.memref_squeeze %dma_start3A_47 : memref<1x80x128xi32, #tpu.memory_space<hbm>> -> memref<80x128xi32, #tpu.memory_space<hbm>>
      %dma_start3A_49 = arith.constant 0 : i32
      %dma_start3A_50 = arith.constant 0 : i32
      %dma_start3A_51 = tpu.memref_slice %arg3[%add3A, %dma_start3A_49, %dma_start3A_50] : memref<32x80x128xi32, #tpu.memory_space<hbm>> -> memref<1x80x128xi32, #tpu.memory_space<hbm>>
      %dma_start3A_52 = tpu.memref_squeeze %dma_start3A_51 : memref<1x80x128xi32, #tpu.memory_space<hbm>> -> memref<80x128xi32, #tpu.memory_space<hbm>>
      tpu.enqueue_dma source(%dma_start3A_52 : memref<80x128xi32, #tpu.memory_space<hbm>>) target(%arg10 : memref<80x128xi32, #tpu.memory_space<vmem>>) target_semaphore(%run_scoped3A_44 : memref<!tpu.dma_semaphore, #tpu.memory_space<semaphore_mem>>)
      %dma_wait3A_53 = arith.constant 0 : i32
      %dma_wait3A_54 = arith.constant 0 : i32
      %dma_wait3A_55 = tpu.memref_slice %arg3[%add3A, %dma_wait3A_53, %dma_wait3A_54] : memref<32x80x128xi32, #tpu.memory_space<hbm>> -> memref<1x80x128xi32, #tpu.memory_space<hbm>>
      %dma_wait3A_56 = tpu.memref_squeeze %dma_wait3A_55 : memref<1x80x128xi32, #tpu.memory_space<hbm>> -> memref<80x128xi32, #tpu.memory_space<hbm>>
      %dma_wait3A_57 = arith.constant 0 : i32
      %dma_wait3A_58 = arith.constant 0 : i32
      %dma_wait3A_59 = tpu.memref_slice %arg3[%add3A, %dma_wait3A_57, %dma_wait3A_58] : memref<32x80x128xi32, #tpu.memory_space<hbm>> -> memref<1x80x128xi32, #tpu.memory_space<hbm>>
      %dma_wait3A_60 = tpu.memref_squeeze %dma_wait3A_59 : memref<1x80x128xi32, #tpu.memory_space<hbm>> -> memref<80x128xi32, #tpu.memory_space<hbm>>
      tpu.wait_dma2 semaphore(%run_scoped3A_44 : memref<!tpu.dma_semaphore, #tpu.memory_space<semaphore_mem>>) src(%dma_wait3A_60 : memref<80x128xi32, #tpu.memory_space<hbm>>) dst(%arg10 : memref<80x128xi32, #tpu.memory_space<vmem>>)
      tpu.yield
    }) : () -> ()
    "tpu.region"() ({
      %run_scoped3A_44 = tpu.sem_alloc : memref<!tpu.dma_semaphore, #tpu.memory_space<semaphore_mem>>
      %dma_start3A_45 = arith.constant 0 : i32
      %dma_start3A_46 = arith.constant 0 : i32
      %dma_start3A_47 = tpu.memref_slice %arg4[%add3A, %dma_start3A_45, %dma_start3A_46] : memref<32x80x128xi32, #tpu.memory_space<hbm>> -> memref<1x80x128xi32, #tpu.memory_space<hbm>>
      %dma_start3A_48 = tpu.memref_squeeze %dma_start3A_47 : memref<1x80x128xi32, #tpu.memory_space<hbm>> -> memref<80x128xi32, #tpu.memory_space<hbm>>
      %dma_start3A_49 = arith.constant 0 : i32
      %dma_start3A_50 = arith.constant 0 : i32
      %dma_start3A_51 = tpu.memref_slice %arg4[%add3A, %dma_start3A_49, %dma_start3A_50] : memref<32x80x128xi32, #tpu.memory_space<hbm>> -> memref<1x80x128xi32, #tpu.memory_space<hbm>>
      %dma_start3A_52 = tpu.memref_squeeze %dma_start3A_51 : memref<1x80x128xi32, #tpu.memory_space<hbm>> -> memref<80x128xi32, #tpu.memory_space<hbm>>
      tpu.enqueue_dma source(%dma_start3A_52 : memref<80x128xi32, #tpu.memory_space<hbm>>) target(%arg11 : memref<80x128xi32, #tpu.memory_space<vmem>>) target_semaphore(%run_scoped3A_44 : memref<!tpu.dma_semaphore, #tpu.memory_space<semaphore_mem>>)
      %dma_wait3A_53 = arith.constant 0 : i32
      %dma_wait3A_54 = arith.constant 0 : i32
      %dma_wait3A_55 = tpu.memref_slice %arg4[%add3A, %dma_wait3A_53, %dma_wait3A_54] : memref<32x80x128xi32, #tpu.memory_space<hbm>> -> memref<1x80x128xi32, #tpu.memory_space<hbm>>
      %dma_wait3A_56 = tpu.memref_squeeze %dma_wait3A_55 : memref<1x80x128xi32, #tpu.memory_space<hbm>> -> memref<80x128xi32, #tpu.memory_space<hbm>>
      %dma_wait3A_57 = arith.constant 0 : i32
      %dma_wait3A_58 = arith.constant 0 : i32
      %dma_wait3A_59 = tpu.memref_slice %arg4[%add3A, %dma_wait3A_57, %dma_wait3A_58] : memref<32x80x128xi32, #tpu.memory_space<hbm>> -> memref<1x80x128xi32, #tpu.memory_space<hbm>>
      %dma_wait3A_60 = tpu.memref_squeeze %dma_wait3A_59 : memref<1x80x128xi32, #tpu.memory_space<hbm>> -> memref<80x128xi32, #tpu.memory_space<hbm>>
      tpu.wait_dma2 semaphore(%run_scoped3A_44 : memref<!tpu.dma_semaphore, #tpu.memory_space<semaphore_mem>>) src(%dma_wait3A_60 : memref<80x128xi32, #tpu.memory_space<hbm>>) dst(%arg11 : memref<80x128xi32, #tpu.memory_space<vmem>>)
      tpu.yield
    }) : () -> ()
    "tpu.region"() ({
      %run_scoped3A_44 = tpu.sem_alloc : memref<!tpu.dma_semaphore, #tpu.memory_space<semaphore_mem>>
      tpu.enqueue_dma source(%arg6 : memref<640x16xf32, #tpu.memory_space<hbm>>) target(%arg14 : memref<640x16xf32, #tpu.memory_space<vmem>>) target_semaphore(%run_scoped3A_44 : memref<!tpu.dma_semaphore, #tpu.memory_space<semaphore_mem>>)
      tpu.wait_dma2 semaphore(%run_scoped3A_44 : memref<!tpu.dma_semaphore, #tpu.memory_space<semaphore_mem>>) src(%arg6 : memref<640x16xf32, #tpu.memory_space<hbm>>) dst(%arg14 : memref<640x16xf32, #tpu.memory_space<vmem>>)
      tpu.yield
    }) : () -> ()
    "tpu.region"() ({
      %run_scoped3A_44 = tpu.sem_alloc : memref<!tpu.dma_semaphore, #tpu.memory_space<semaphore_mem>>
      tpu.enqueue_dma source(%arg7 : memref<5x128xi32, #tpu.memory_space<hbm>>) target(%arg15 : memref<5x128xi32, #tpu.memory_space<vmem>>) target_semaphore(%run_scoped3A_44 : memref<!tpu.dma_semaphore, #tpu.memory_space<semaphore_mem>>)
      tpu.wait_dma2 semaphore(%run_scoped3A_44 : memref<!tpu.dma_semaphore, #tpu.memory_space<semaphore_mem>>) src(%arg7 : memref<5x128xi32, #tpu.memory_space<hbm>>) dst(%arg15 : memref<5x128xi32, #tpu.memory_space<vmem>>)
      tpu.yield
    }) : () -> ()
    %mul3A_1 = arith.constant 640 : i32
    %mul3A_2 = arith.muli %arg1, %mul3A_1 : i32
    %mul3A_3 = arith.constant 640 : i32
    %mul3A_4 = arith.muli %arg1, %mul3A_3 : i32
    "tpu.region"() ({
      %run_scoped3A_44 = tpu.sem_alloc : memref<!tpu.dma_semaphore, #tpu.memory_space<semaphore_mem>>
      %dma_start3A_45 = arith.constant 0 : i32
      %dma_start3A_46 = tpu.memref_slice %arg17[%mul3A_4, %dma_start3A_45] : memref<10240x64xf32, #tpu.memory_space<vmem_shared>> -> memref<640x64xf32, #tpu.memory_space<vmem_shared>>
      %dma_start3A_47 = arith.constant 0 : i32
      %dma_start3A_48 = tpu.memref_slice %arg5[%mul3A_2, %dma_start3A_47] : memref<10240x64xf32, #tpu.memory_space<hbm>> -> memref<640x64xf32, #tpu.memory_space<hbm>>
      tpu.enqueue_dma source(%dma_start3A_48 : memref<640x64xf32, #tpu.memory_space<hbm>>) target(%dma_start3A_46 : memref<640x64xf32, #tpu.memory_space<vmem_shared>>) target_semaphore(%run_scoped3A_44 : memref<!tpu.dma_semaphore, #tpu.memory_space<semaphore_mem>>)
      %dma_wait3A_49 = arith.constant 0 : i32
      %dma_wait3A_50 = tpu.memref_slice %arg17[%mul3A_4, %dma_wait3A_49] : memref<10240x64xf32, #tpu.memory_space<vmem_shared>> -> memref<640x64xf32, #tpu.memory_space<vmem_shared>>
      %dma_wait3A_51 = arith.constant 0 : i32
      %dma_wait3A_52 = tpu.memref_slice %arg5[%mul3A_2, %dma_wait3A_51] : memref<10240x64xf32, #tpu.memory_space<hbm>> -> memref<640x64xf32, #tpu.memory_space<hbm>>
      tpu.wait_dma2 semaphore(%run_scoped3A_44 : memref<!tpu.dma_semaphore, #tpu.memory_space<semaphore_mem>>) src(%dma_wait3A_52 : memref<640x64xf32, #tpu.memory_space<hbm>>) dst(%dma_wait3A_50 : memref<640x64xf32, #tpu.memory_space<vmem_shared>>)
      tpu.yield
    }) : () -> ()
    %mul3A_5 = arith.constant 40 : i32
    %mul3A_6 = arith.muli %arg1, %mul3A_5 : i32
    %mul3A_7 = arith.constant 40 : i32
    %mul3A_8 = arith.muli %arg1, %mul3A_7 : i32
    "tpu.region"() ({
      %run_scoped3A_44 = tpu.sem_alloc : memref<!tpu.dma_semaphore, #tpu.memory_space<semaphore_mem>>
      %dma_start3A_45 = arith.constant 0 : i32
      %dma_start3A_46 = tpu.memref_slice %arg18[%mul3A_8, %dma_start3A_45] : memref<640x16xf32, #tpu.memory_space<vmem_shared>> -> memref<40x16xf32, #tpu.memory_space<vmem_shared>>
      %dma_start3A_47 = arith.constant 0 : i32
      %dma_start3A_48 = tpu.memref_slice %arg6[%mul3A_6, %dma_start3A_47] : memref<640x16xf32, #tpu.memory_space<hbm>> -> memref<40x16xf32, #tpu.memory_space<hbm>>
      tpu.enqueue_dma source(%dma_start3A_48 : memref<40x16xf32, #tpu.memory_space<hbm>>) target(%dma_start3A_46 : memref<40x16xf32, #tpu.memory_space<vmem_shared>>) target_semaphore(%run_scoped3A_44 : memref<!tpu.dma_semaphore, #tpu.memory_space<semaphore_mem>>)
      %dma_wait3A_49 = arith.constant 0 : i32
      %dma_wait3A_50 = tpu.memref_slice %arg18[%mul3A_8, %dma_wait3A_49] : memref<640x16xf32, #tpu.memory_space<vmem_shared>> -> memref<40x16xf32, #tpu.memory_space<vmem_shared>>
      %dma_wait3A_51 = arith.constant 0 : i32
      %dma_wait3A_52 = tpu.memref_slice %arg6[%mul3A_6, %dma_wait3A_51] : memref<640x16xf32, #tpu.memory_space<hbm>> -> memref<40x16xf32, #tpu.memory_space<hbm>>
      tpu.wait_dma2 semaphore(%run_scoped3A_44 : memref<!tpu.dma_semaphore, #tpu.memory_space<semaphore_mem>>) src(%dma_wait3A_52 : memref<40x16xf32, #tpu.memory_space<hbm>>) dst(%dma_wait3A_50 : memref<40x16xf32, #tpu.memory_space<vmem_shared>>)
      tpu.yield
    }) : () -> ()
    %mul3A_9 = arith.constant 640 : i32
    %mul3A_10 = arith.muli %arg1, %mul3A_9 : i32
    %mul3A_11 = arith.constant 640 : i32
    %mul3A_12 = arith.muli %arg1, %mul3A_11 : i32
    "tpu.region"() ({
      %run_scoped3A_44 = tpu.sem_alloc : memref<!tpu.dma_semaphore, #tpu.memory_space<semaphore_mem>>
      %dma_start3A_45 = arith.constant 0 : i32
      %dma_start3A_46 = tpu.memref_slice %arg16[%mul3A_12, %dma_start3A_45] : memref<10240x64xf32, #tpu.memory_space<vmem_shared>> -> memref<640x64xf32, #tpu.memory_space<vmem_shared>>
      %dma_start3A_47 = arith.constant 0 : i32
      %dma_start3A_48 = tpu.memref_slice %arg2[%mul3A_10, %dma_start3A_47] : memref<10240x64xf32, #tpu.memory_space<hbm>> -> memref<640x64xf32, #tpu.memory_space<hbm>>
      tpu.enqueue_dma source(%dma_start3A_48 : memref<640x64xf32, #tpu.memory_space<hbm>>) target(%dma_start3A_46 : memref<640x64xf32, #tpu.memory_space<vmem_shared>>) target_semaphore(%run_scoped3A_44 : memref<!tpu.dma_semaphore, #tpu.memory_space<semaphore_mem>>)
      %dma_wait3A_49 = arith.constant 0 : i32
      %dma_wait3A_50 = tpu.memref_slice %arg16[%mul3A_12, %dma_wait3A_49] : memref<10240x64xf32, #tpu.memory_space<vmem_shared>> -> memref<640x64xf32, #tpu.memory_space<vmem_shared>>
      %dma_wait3A_51 = arith.constant 0 : i32
      %dma_wait3A_52 = tpu.memref_slice %arg2[%mul3A_10, %dma_wait3A_51] : memref<10240x64xf32, #tpu.memory_space<hbm>> -> memref<640x64xf32, #tpu.memory_space<hbm>>
      tpu.wait_dma2 semaphore(%run_scoped3A_44 : memref<!tpu.dma_semaphore, #tpu.memory_space<semaphore_mem>>) src(%dma_wait3A_52 : memref<640x64xf32, #tpu.memory_space<hbm>>) dst(%dma_wait3A_50 : memref<640x64xf32, #tpu.memory_space<vmem_shared>>)
      tpu.yield
    }) : () -> ()
    %barrier3A = arith.constant 0 : index
    tpu.barrier barrier_id(%barrier3A)
    %broadcast_in_dim3A = arith.constant 1.000000e+00 : f32
    %broadcast_in_dim3A_13 = vector.broadcast %broadcast_in_dim3A : f32 to vector<16xf32>
    %dma_start3A = arith.constant 0 : i32
    %dma_start3A_14 = arith.constant 0 : i32
    %dma_start3A_15 = tpu.memref_slice %arg10[%dma_start3A, %dma_start3A_14] : memref<80x128xi32, #tpu.memory_space<vmem>> -> memref<1x128xi32, #tpu.memory_space<vmem>>
    %dma_start3A_16 = tpu.memref_squeeze %dma_start3A_15 : memref<1x128xi32, #tpu.memory_space<vmem>> -> memref<128xi32, #tpu.memory_space<vmem>>
    %dma_start3A_17 = arith.constant 0 : i32
    %dma_start3A_18 = arith.constant 0 : i32
    %dma_start3A_19 = tpu.memref_slice %arg16[%dma_start3A_17, %dma_start3A_18] : memref<10240x64xf32, #tpu.memory_space<vmem_shared>> -> memref<10240x64xf32, #tpu.memory_space<vmem_shared>>
    tpu.enqueue_indirect_dma source(%dma_start3A_19 : memref<10240x64xf32, #tpu.memory_space<vmem_shared>>) target(%arg12 : memref<128x64xf32, #tpu.memory_space<vmem>>) offsets(%dma_start3A_16 : memref<128xi32, #tpu.memory_space<vmem>>) semaphore(%arg19 : memref<!tpu.dma_semaphore, #tpu.memory_space<semaphore_mem>>)
    %dma_wait3A = arith.constant 0 : i32
    %dma_wait3A_20 = arith.constant 0 : i32
    %dma_wait3A_21 = tpu.memref_slice %arg10[%dma_wait3A, %dma_wait3A_20] : memref<80x128xi32, #tpu.memory_space<vmem>> -> memref<1x128xi32, #tpu.memory_space<vmem>>
    %dma_wait3A_22 = tpu.memref_squeeze %dma_wait3A_21 : memref<1x128xi32, #tpu.memory_space<vmem>> -> memref<128xi32, #tpu.memory_space<vmem>>
    %dma_wait3A_23 = arith.constant 0 : i32
    %dma_wait3A_24 = arith.constant 0 : i32
    %dma_wait3A_25 = tpu.memref_slice %arg16[%dma_wait3A_23, %dma_wait3A_24] : memref<10240x64xf32, #tpu.memory_space<vmem_shared>> -> memref<10240x64xf32, #tpu.memory_space<vmem_shared>>
    tpu.wait_indirect_dma semaphore(%arg19 : memref<!tpu.dma_semaphore, #tpu.memory_space<semaphore_mem>>) src(%dma_wait3A_25 : memref<10240x64xf32, #tpu.memory_space<vmem_shared>>) dst(%arg12 : memref<128x64xf32, #tpu.memory_space<vmem>>)
    %scan3A = arith.constant 0 : i32
    %scan3A_26 = arith.constant 0 : i32
    %scan3A_27 = arith.constant 40 : i32
    %scan3A_28 = arith.addi %scan3A_26, %scan3A_27 : i32
    %scan3A_29 = arith.constant 1 : i32
    scf.for %scan3A_44 = %scan3A_26 to %scan3A_28 step %scan3A_29  : i32 {
      %mul3A_45 = arith.constant 2 : i32
      %mul3A_46 = arith.muli %mul3A_45, %scan3A_44 : i32
      %mul3A_47 = arith.constant 2 : i32
      %mul3A_48 = arith.muli %mul3A_47, %scan3A_44 : i32
      %add3A_49 = arith.constant 1 : i32
      %add3A_50 = arith.addi %mul3A_48, %add3A_49 : i32
      %dma_start3A_51 = arith.constant 0 : i32
      %dma_start3A_52 = tpu.memref_slice %arg10[%add3A_50, %dma_start3A_51] : memref<80x128xi32, #tpu.memory_space<vmem>> -> memref<1x128xi32, #tpu.memory_space<vmem>>
      %dma_start3A_53 = tpu.memref_squeeze %dma_start3A_52 : memref<1x128xi32, #tpu.memory_space<vmem>> -> memref<128xi32, #tpu.memory_space<vmem>>
      %dma_start3A_54 = arith.constant 0 : i32
      %dma_start3A_55 = arith.constant 0 : i32
      %dma_start3A_56 = tpu.memref_slice %arg16[%dma_start3A_54, %dma_start3A_55] : memref<10240x64xf32, #tpu.memory_space<vmem_shared>> -> memref<10240x64xf32, #tpu.memory_space<vmem_shared>>
      tpu.enqueue_indirect_dma source(%dma_start3A_56 : memref<10240x64xf32, #tpu.memory_space<vmem_shared>>) target(%arg13 : memref<128x64xf32, #tpu.memory_space<vmem>>) offsets(%dma_start3A_53 : memref<128xi32, #tpu.memory_space<vmem>>) semaphore(%arg20 : memref<!tpu.dma_semaphore, #tpu.memory_space<semaphore_mem>>)
      %dma_start3A_57 = arith.constant 0 : i32
      %dma_start3A_58 = tpu.memref_slice %arg11[%mul3A_46, %dma_start3A_57] : memref<80x128xi32, #tpu.memory_space<vmem>> -> memref<1x128xi32, #tpu.memory_space<vmem>>
      %dma_start3A_59 = tpu.memref_squeeze %dma_start3A_58 : memref<1x128xi32, #tpu.memory_space<vmem>> -> memref<128xi32, #tpu.memory_space<vmem>>
      %dma_start3A_60 = arith.constant 0 : i32
      %dma_start3A_61 = arith.constant 0 : i32
      %dma_start3A_62 = tpu.memref_slice %arg17[%dma_start3A_60, %dma_start3A_61] : memref<10240x64xf32, #tpu.memory_space<vmem_shared>> -> memref<10240x64xf32, #tpu.memory_space<vmem_shared>>
      tpu.enqueue_indirect_dma source(%arg12 : memref<128x64xf32, #tpu.memory_space<vmem>>) target(%dma_start3A_62 : memref<10240x64xf32, #tpu.memory_space<vmem_shared>>) offsets(%dma_start3A_59 : memref<128xi32, #tpu.memory_space<vmem>>) semaphore(%arg21 : memref<!tpu.dma_semaphore, #tpu.memory_space<semaphore_mem>>) {add = true}
      %get3A = arith.index_cast %mul3A_46 : i32 to index
      %get3A_63 = arith.constant 0 : index
      %get3A_64 = tpu.vector_load %arg11[%get3A, %get3A_63] {strides = array<i32>} : memref<80x128xi32, #tpu.memory_space<vmem>>, vector<16xi32>,
      %shift_right_arithmetic3A = arith.constant 4 : i32
      %shift_right_arithmetic3A_65 = vector.broadcast %shift_right_arithmetic3A : i32 to vector<16xi32>
      %shift_right_arithmetic3A_66 = arith.shrsi %get3A_64, %shift_right_arithmetic3A_65 : vector<16xi32>
      %and3A = arith.constant 15 : i32
      %and3A_67 = vector.broadcast %and3A : i32 to vector<16xi32>
      %and3A_68 = arith.andi %get3A_64, %and3A_67 : vector<16xi32>
      tpu.vector_store_idx %arg14[%shift_right_arithmetic3A_66, %and3A_68], %broadcast_in_dim3A_13 {add = true} : memref<640x16xf32, #tpu.memory_space<vmem>>[vector<16xi32>, vector<16xi32>], vector<16xf32>,
      %get3A_69 = arith.index_cast %mul3A_46 : i32 to index
      %get3A_70 = arith.constant 16 : index
      %get3A_71 = tpu.vector_load %arg11[%get3A_69, %get3A_70] {strides = array<i32>} : memref<80x128xi32, #tpu.memory_space<vmem>>, vector<16xi32>,
      %shift_right_arithmetic3A_72 = arith.constant 4 : i32
      %shift_right_arithmetic3A_73 = vector.broadcast %shift_right_arithmetic3A_72 : i32 to vector<16xi32>
      %shift_right_arithmetic3A_74 = arith.shrsi %get3A_71, %shift_right_arithmetic3A_73 : vector<16xi32>
      %and3A_75 = arith.constant 15 : i32
      %and3A_76 = vector.broadcast %and3A_75 : i32 to vector<16xi32>
      %and3A_77 = arith.andi %get3A_71, %and3A_76 : vector<16xi32>
      tpu.vector_store_idx %arg14[%shift_right_arithmetic3A_74, %and3A_77], %broadcast_in_dim3A_13 {add = true} : memref<640x16xf32, #tpu.memory_space<vmem>>[vector<16xi32>, vector<16xi32>], vector<16xf32>,
      %get3A_78 = arith.index_cast %mul3A_46 : i32 to index
      %get3A_79 = arith.constant 32 : index
      %get3A_80 = tpu.vector_load %arg11[%get3A_78, %get3A_79] {strides = array<i32>} : memref<80x128xi32, #tpu.memory_space<vmem>>, vector<16xi32>,
      %shift_right_arithmetic3A_81 = arith.constant 4 : i32
      %shift_right_arithmetic3A_82 = vector.broadcast %shift_right_arithmetic3A_81 : i32 to vector<16xi32>
      %shift_right_arithmetic3A_83 = arith.shrsi %get3A_80, %shift_right_arithmetic3A_82 : vector<16xi32>
      %and3A_84 = arith.constant 15 : i32
      %and3A_85 = vector.broadcast %and3A_84 : i32 to vector<16xi32>
      %and3A_86 = arith.andi %get3A_80, %and3A_85 : vector<16xi32>
      tpu.vector_store_idx %arg14[%shift_right_arithmetic3A_83, %and3A_86], %broadcast_in_dim3A_13 {add = true} : memref<640x16xf32, #tpu.memory_space<vmem>>[vector<16xi32>, vector<16xi32>], vector<16xf32>,
      %get3A_87 = arith.index_cast %mul3A_46 : i32 to index
      %get3A_88 = arith.constant 48 : index
      %get3A_89 = tpu.vector_load %arg11[%get3A_87, %get3A_88] {strides = array<i32>} : memref<80x128xi32, #tpu.memory_space<vmem>>, vector<16xi32>,
      %shift_right_arithmetic3A_90 = arith.constant 4 : i32
      %shift_right_arithmetic3A_91 = vector.broadcast %shift_right_arithmetic3A_90 : i32 to vector<16xi32>
      %shift_right_arithmetic3A_92 = arith.shrsi %get3A_89, %shift_right_arithmetic3A_91 : vector<16xi32>
      %and3A_93 = arith.constant 15 : i32
      %and3A_94 = vector.broadcast %and3A_93 : i32 to vector<16xi32>
      %and3A_95 = arith.andi %get3A_89, %and3A_94 : vector<16xi32>
      tpu.vector_store_idx %arg14[%shift_right_arithmetic3A_92, %and3A_95], %broadcast_in_dim3A_13 {add = true} : memref<640x16xf32, #tpu.memory_space<vmem>>[vector<16xi32>, vector<16xi32>], vector<16xf32>,
      %get3A_96 = arith.index_cast %mul3A_46 : i32 to index
      %get3A_97 = arith.constant 64 : index
      %get3A_98 = tpu.vector_load %arg11[%get3A_96, %get3A_97] {strides = array<i32>} : memref<80x128xi32, #tpu.memory_space<vmem>>, vector<16xi32>,
      %shift_right_arithmetic3A_99 = arith.constant 4 : i32
      %shift_right_arithmetic3A_100 = vector.broadcast %shift_right_arithmetic3A_99 : i32 to vector<16xi32>
      %shift_right_arithmetic3A_101 = arith.shrsi %get3A_98, %shift_right_arithmetic3A_100 : vector<16xi32>
      %and3A_102 = arith.constant 15 : i32
      %and3A_103 = vector.broadcast %and3A_102 : i32 to vector<16xi32>
      %and3A_104 = arith.andi %get3A_98, %and3A_103 : vector<16xi32>
      tpu.vector_store_idx %arg14[%shift_right_arithmetic3A_101, %and3A_104], %broadcast_in_dim3A_13 {add = true} : memref<640x16xf32, #tpu.memory_space<vmem>>[vector<16xi32>, vector<16xi32>], vector<16xf32>,
      %get3A_105 = arith.index_cast %mul3A_46 : i32 to index
      %get3A_106 = arith.constant 80 : index
      %get3A_107 = tpu.vector_load %arg11[%get3A_105, %get3A_106] {strides = array<i32>} : memref<80x128xi32, #tpu.memory_space<vmem>>, vector<16xi32>,
      %shift_right_arithmetic3A_108 = arith.constant 4 : i32
      %shift_right_arithmetic3A_109 = vector.broadcast %shift_right_arithmetic3A_108 : i32 to vector<16xi32>
      %shift_right_arithmetic3A_110 = arith.shrsi %get3A_107, %shift_right_arithmetic3A_109 : vector<16xi32>
      %and3A_111 = arith.constant 15 : i32
      %and3A_112 = vector.broadcast %and3A_111 : i32 to vector<16xi32>
      %and3A_113 = arith.andi %get3A_107, %and3A_112 : vector<16xi32>
      tpu.vector_store_idx %arg14[%shift_right_arithmetic3A_110, %and3A_113], %broadcast_in_dim3A_13 {add = true} : memref<640x16xf32, #tpu.memory_space<vmem>>[vector<16xi32>, vector<16xi32>], vector<16xf32>,
      %get3A_114 = arith.index_cast %mul3A_46 : i32 to index
      %get3A_115 = arith.constant 96 : index
      %get3A_116 = tpu.vector_load %arg11[%get3A_114, %get3A_115] {strides = array<i32>} : memref<80x128xi32, #tpu.memory_space<vmem>>, vector<16xi32>,
      %shift_right_arithmetic3A_117 = arith.constant 4 : i32
      %shift_right_arithmetic3A_118 = vector.broadcast %shift_right_arithmetic3A_117 : i32 to vector<16xi32>
      %shift_right_arithmetic3A_119 = arith.shrsi %get3A_116, %shift_right_arithmetic3A_118 : vector<16xi32>
      %and3A_120 = arith.constant 15 : i32
      %and3A_121 = vector.broadcast %and3A_120 : i32 to vector<16xi32>
      %and3A_122 = arith.andi %get3A_116, %and3A_121 : vector<16xi32>
      tpu.vector_store_idx %arg14[%shift_right_arithmetic3A_119, %and3A_122], %broadcast_in_dim3A_13 {add = true} : memref<640x16xf32, #tpu.memory_space<vmem>>[vector<16xi32>, vector<16xi32>], vector<16xf32>,
      %get3A_123 = arith.index_cast %mul3A_46 : i32 to index
      %get3A_124 = arith.constant 112 : index
      %get3A_125 = tpu.vector_load %arg11[%get3A_123, %get3A_124] {strides = array<i32>} : memref<80x128xi32, #tpu.memory_space<vmem>>, vector<16xi32>,
      %shift_right_arithmetic3A_126 = arith.constant 4 : i32
      %shift_right_arithmetic3A_127 = vector.broadcast %shift_right_arithmetic3A_126 : i32 to vector<16xi32>
      %shift_right_arithmetic3A_128 = arith.shrsi %get3A_125, %shift_right_arithmetic3A_127 : vector<16xi32>
      %and3A_129 = arith.constant 15 : i32
      %and3A_130 = vector.broadcast %and3A_129 : i32 to vector<16xi32>
      %and3A_131 = arith.andi %get3A_125, %and3A_130 : vector<16xi32>
      tpu.vector_store_idx %arg14[%shift_right_arithmetic3A_128, %and3A_131], %broadcast_in_dim3A_13 {add = true} : memref<640x16xf32, #tpu.memory_space<vmem>>[vector<16xi32>, vector<16xi32>], vector<16xf32>,
      %dma_wait3A_132 = arith.constant 0 : i32
      %dma_wait3A_133 = tpu.memref_slice %arg10[%add3A_50, %dma_wait3A_132] : memref<80x128xi32, #tpu.memory_space<vmem>> -> memref<1x128xi32, #tpu.memory_space<vmem>>
      %dma_wait3A_134 = tpu.memref_squeeze %dma_wait3A_133 : memref<1x128xi32, #tpu.memory_space<vmem>> -> memref<128xi32, #tpu.memory_space<vmem>>
      %dma_wait3A_135 = arith.constant 0 : i32
      %dma_wait3A_136 = arith.constant 0 : i32
      %dma_wait3A_137 = tpu.memref_slice %arg16[%dma_wait3A_135, %dma_wait3A_136] : memref<10240x64xf32, #tpu.memory_space<vmem_shared>> -> memref<10240x64xf32, #tpu.memory_space<vmem_shared>>
      tpu.wait_indirect_dma semaphore(%arg20 : memref<!tpu.dma_semaphore, #tpu.memory_space<semaphore_mem>>) src(%dma_wait3A_137 : memref<10240x64xf32, #tpu.memory_space<vmem_shared>>) dst(%arg13 : memref<128x64xf32, #tpu.memory_space<vmem>>)
      %dma_wait3A_138 = arith.constant 0 : i32
      %dma_wait3A_139 = tpu.memref_slice %arg11[%mul3A_46, %dma_wait3A_138] : memref<80x128xi32, #tpu.memory_space<vmem>> -> memref<1x128xi32, #tpu.memory_space<vmem>>
      %dma_wait3A_140 = tpu.memref_squeeze %dma_wait3A_139 : memref<1x128xi32, #tpu.memory_space<vmem>> -> memref<128xi32, #tpu.memory_space<vmem>>
      %dma_wait3A_141 = arith.constant 0 : i32
      %dma_wait3A_142 = arith.constant 0 : i32
      %dma_wait3A_143 = tpu.memref_slice %arg17[%dma_wait3A_141, %dma_wait3A_142] : memref<10240x64xf32, #tpu.memory_space<vmem_shared>> -> memref<10240x64xf32, #tpu.memory_space<vmem_shared>>
      tpu.wait_indirect_dma semaphore(%arg21 : memref<!tpu.dma_semaphore, #tpu.memory_space<semaphore_mem>>) src(%arg12 : memref<128x64xf32, #tpu.memory_space<vmem>>) dst(%dma_wait3A_143 : memref<10240x64xf32, #tpu.memory_space<vmem_shared>>)
      %add3A_144 = arith.constant 1 : i32
      %add3A_145 = arith.addi %add3A_50, %add3A_144 : i32
      %min3A = arith.constant 79 : i32
      %min3A_146 = arith.minsi %add3A_145, %min3A : i32
      %dma_start3A_147 = arith.constant 0 : i32
      %dma_start3A_148 = tpu.memref_slice %arg10[%min3A_146, %dma_start3A_147] : memref<80x128xi32, #tpu.memory_space<vmem>> -> memref<1x128xi32, #tpu.memory_space<vmem>>
      %dma_start3A_149 = tpu.memref_squeeze %dma_start3A_148 : memref<1x128xi32, #tpu.memory_space<vmem>> -> memref<128xi32, #tpu.memory_space<vmem>>
      %dma_start3A_150 = arith.constant 0 : i32
      %dma_start3A_151 = arith.constant 0 : i32
      %dma_start3A_152 = tpu.memref_slice %arg16[%dma_start3A_150, %dma_start3A_151] : memref<10240x64xf32, #tpu.memory_space<vmem_shared>> -> memref<10240x64xf32, #tpu.memory_space<vmem_shared>>
      tpu.enqueue_indirect_dma source(%dma_start3A_152 : memref<10240x64xf32, #tpu.memory_space<vmem_shared>>) target(%arg12 : memref<128x64xf32, #tpu.memory_space<vmem>>) offsets(%dma_start3A_149 : memref<128xi32, #tpu.memory_space<vmem>>) semaphore(%arg19 : memref<!tpu.dma_semaphore, #tpu.memory_space<semaphore_mem>>)
      %dma_start3A_153 = arith.constant 0 : i32
      %dma_start3A_154 = tpu.memref_slice %arg11[%add3A_50, %dma_start3A_153] : memref<80x128xi32, #tpu.memory_space<vmem>> -> memref<1x128xi32, #tpu.memory_space<vmem>>
      %dma_start3A_155 = tpu.memref_squeeze %dma_start3A_154 : memref<1x128xi32, #tpu.memory_space<vmem>> -> memref<128xi32, #tpu.memory_space<vmem>>
      %dma_start3A_156 = arith.constant 0 : i32
      %dma_start3A_157 = arith.constant 0 : i32
      %dma_start3A_158 = tpu.memref_slice %arg17[%dma_start3A_156, %dma_start3A_157] : memref<10240x64xf32, #tpu.memory_space<vmem_shared>> -> memref<10240x64xf32, #tpu.memory_space<vmem_shared>>
      tpu.enqueue_indirect_dma source(%arg13 : memref<128x64xf32, #tpu.memory_space<vmem>>) target(%dma_start3A_158 : memref<10240x64xf32, #tpu.memory_space<vmem_shared>>) offsets(%dma_start3A_155 : memref<128xi32, #tpu.memory_space<vmem>>) semaphore(%arg22 : memref<!tpu.dma_semaphore, #tpu.memory_space<semaphore_mem>>) {add = true}
      %get3A_159 = arith.index_cast %add3A_50 : i32 to index
      %get3A_160 = arith.constant 0 : index
      %get3A_161 = tpu.vector_load %arg11[%get3A_159, %get3A_160] {strides = array<i32>} : memref<80x128xi32, #tpu.memory_space<vmem>>, vector<16xi32>,
      %shift_right_arithmetic3A_162 = arith.constant 4 : i32
      %shift_right_arithmetic3A_163 = vector.broadcast %shift_right_arithmetic3A_162 : i32 to vector<16xi32>
      %shift_right_arithmetic3A_164 = arith.shrsi %get3A_161, %shift_right_arithmetic3A_163 : vector<16xi32>
      %and3A_165 = arith.constant 15 : i32
      %and3A_166 = vector.broadcast %and3A_165 : i32 to vector<16xi32>
      %and3A_167 = arith.andi %get3A_161, %and3A_166 : vector<16xi32>
      tpu.vector_store_idx %arg14[%shift_right_arithmetic3A_164, %and3A_167], %broadcast_in_dim3A_13 {add = true} : memref<640x16xf32, #tpu.memory_space<vmem>>[vector<16xi32>, vector<16xi32>], vector<16xf32>,
      %get3A_168 = arith.index_cast %add3A_50 : i32 to index
      %get3A_169 = arith.constant 16 : index
      %get3A_170 = tpu.vector_load %arg11[%get3A_168, %get3A_169] {strides = array<i32>} : memref<80x128xi32, #tpu.memory_space<vmem>>, vector<16xi32>,
      %shift_right_arithmetic3A_171 = arith.constant 4 : i32
      %shift_right_arithmetic3A_172 = vector.broadcast %shift_right_arithmetic3A_171 : i32 to vector<16xi32>
      %shift_right_arithmetic3A_173 = arith.shrsi %get3A_170, %shift_right_arithmetic3A_172 : vector<16xi32>
      %and3A_174 = arith.constant 15 : i32
      %and3A_175 = vector.broadcast %and3A_174 : i32 to vector<16xi32>
      %and3A_176 = arith.andi %get3A_170, %and3A_175 : vector<16xi32>
      tpu.vector_store_idx %arg14[%shift_right_arithmetic3A_173, %and3A_176], %broadcast_in_dim3A_13 {add = true} : memref<640x16xf32, #tpu.memory_space<vmem>>[vector<16xi32>, vector<16xi32>], vector<16xf32>,
      %get3A_177 = arith.index_cast %add3A_50 : i32 to index
      %get3A_178 = arith.constant 32 : index
      %get3A_179 = tpu.vector_load %arg11[%get3A_177, %get3A_178] {strides = array<i32>} : memref<80x128xi32, #tpu.memory_space<vmem>>, vector<16xi32>,
      %shift_right_arithmetic3A_180 = arith.constant 4 : i32
      %shift_right_arithmetic3A_181 = vector.broadcast %shift_right_arithmetic3A_180 : i32 to vector<16xi32>
      %shift_right_arithmetic3A_182 = arith.shrsi %get3A_179, %shift_right_arithmetic3A_181 : vector<16xi32>
      %and3A_183 = arith.constant 15 : i32
      %and3A_184 = vector.broadcast %and3A_183 : i32 to vector<16xi32>
      %and3A_185 = arith.andi %get3A_179, %and3A_184 : vector<16xi32>
      tpu.vector_store_idx %arg14[%shift_right_arithmetic3A_182, %and3A_185], %broadcast_in_dim3A_13 {add = true} : memref<640x16xf32, #tpu.memory_space<vmem>>[vector<16xi32>, vector<16xi32>], vector<16xf32>,
      %get3A_186 = arith.index_cast %add3A_50 : i32 to index
      %get3A_187 = arith.constant 48 : index
      %get3A_188 = tpu.vector_load %arg11[%get3A_186, %get3A_187] {strides = array<i32>} : memref<80x128xi32, #tpu.memory_space<vmem>>, vector<16xi32>,
      %shift_right_arithmetic3A_189 = arith.constant 4 : i32
      %shift_right_arithmetic3A_190 = vector.broadcast %shift_right_arithmetic3A_189 : i32 to vector<16xi32>
      %shift_right_arithmetic3A_191 = arith.shrsi %get3A_188, %shift_right_arithmetic3A_190 : vector<16xi32>
      %and3A_192 = arith.constant 15 : i32
      %and3A_193 = vector.broadcast %and3A_192 : i32 to vector<16xi32>
      %and3A_194 = arith.andi %get3A_188, %and3A_193 : vector<16xi32>
      tpu.vector_store_idx %arg14[%shift_right_arithmetic3A_191, %and3A_194], %broadcast_in_dim3A_13 {add = true} : memref<640x16xf32, #tpu.memory_space<vmem>>[vector<16xi32>, vector<16xi32>], vector<16xf32>,
      %get3A_195 = arith.index_cast %add3A_50 : i32 to index
      %get3A_196 = arith.constant 64 : index
      %get3A_197 = tpu.vector_load %arg11[%get3A_195, %get3A_196] {strides = array<i32>} : memref<80x128xi32, #tpu.memory_space<vmem>>, vector<16xi32>,
      %shift_right_arithmetic3A_198 = arith.constant 4 : i32
      %shift_right_arithmetic3A_199 = vector.broadcast %shift_right_arithmetic3A_198 : i32 to vector<16xi32>
      %shift_right_arithmetic3A_200 = arith.shrsi %get3A_197, %shift_right_arithmetic3A_199 : vector<16xi32>
      %and3A_201 = arith.constant 15 : i32
      %and3A_202 = vector.broadcast %and3A_201 : i32 to vector<16xi32>
      %and3A_203 = arith.andi %get3A_197, %and3A_202 : vector<16xi32>
      tpu.vector_store_idx %arg14[%shift_right_arithmetic3A_200, %and3A_203], %broadcast_in_dim3A_13 {add = true} : memref<640x16xf32, #tpu.memory_space<vmem>>[vector<16xi32>, vector<16xi32>], vector<16xf32>,
      %get3A_204 = arith.index_cast %add3A_50 : i32 to index
      %get3A_205 = arith.constant 80 : index
      %get3A_206 = tpu.vector_load %arg11[%get3A_204, %get3A_205] {strides = array<i32>} : memref<80x128xi32, #tpu.memory_space<vmem>>, vector<16xi32>,
      %shift_right_arithmetic3A_207 = arith.constant 4 : i32
      %shift_right_arithmetic3A_208 = vector.broadcast %shift_right_arithmetic3A_207 : i32 to vector<16xi32>
      %shift_right_arithmetic3A_209 = arith.shrsi %get3A_206, %shift_right_arithmetic3A_208 : vector<16xi32>
      %and3A_210 = arith.constant 15 : i32
      %and3A_211 = vector.broadcast %and3A_210 : i32 to vector<16xi32>
      %and3A_212 = arith.andi %get3A_206, %and3A_211 : vector<16xi32>
      tpu.vector_store_idx %arg14[%shift_right_arithmetic3A_209, %and3A_212], %broadcast_in_dim3A_13 {add = true} : memref<640x16xf32, #tpu.memory_space<vmem>>[vector<16xi32>, vector<16xi32>], vector<16xf32>,
      %get3A_213 = arith.index_cast %add3A_50 : i32 to index
      %get3A_214 = arith.constant 96 : index
      %get3A_215 = tpu.vector_load %arg11[%get3A_213, %get3A_214] {strides = array<i32>} : memref<80x128xi32, #tpu.memory_space<vmem>>, vector<16xi32>,
      %shift_right_arithmetic3A_216 = arith.constant 4 : i32
      %shift_right_arithmetic3A_217 = vector.broadcast %shift_right_arithmetic3A_216 : i32 to vector<16xi32>
      %shift_right_arithmetic3A_218 = arith.shrsi %get3A_215, %shift_right_arithmetic3A_217 : vector<16xi32>
      %and3A_219 = arith.constant 15 : i32
      %and3A_220 = vector.broadcast %and3A_219 : i32 to vector<16xi32>
      %and3A_221 = arith.andi %get3A_215, %and3A_220 : vector<16xi32>
      tpu.vector_store_idx %arg14[%shift_right_arithmetic3A_218, %and3A_221], %broadcast_in_dim3A_13 {add = true} : memref<640x16xf32, #tpu.memory_space<vmem>>[vector<16xi32>, vector<16xi32>], vector<16xf32>,
      %get3A_222 = arith.index_cast %add3A_50 : i32 to index
      %get3A_223 = arith.constant 112 : index
      %get3A_224 = tpu.vector_load %arg11[%get3A_222, %get3A_223] {strides = array<i32>} : memref<80x128xi32, #tpu.memory_space<vmem>>, vector<16xi32>,
      %shift_right_arithmetic3A_225 = arith.constant 4 : i32
      %shift_right_arithmetic3A_226 = vector.broadcast %shift_right_arithmetic3A_225 : i32 to vector<16xi32>
      %shift_right_arithmetic3A_227 = arith.shrsi %get3A_224, %shift_right_arithmetic3A_226 : vector<16xi32>
      %and3A_228 = arith.constant 15 : i32
      %and3A_229 = vector.broadcast %and3A_228 : i32 to vector<16xi32>
      %and3A_230 = arith.andi %get3A_224, %and3A_229 : vector<16xi32>
      tpu.vector_store_idx %arg14[%shift_right_arithmetic3A_227, %and3A_230], %broadcast_in_dim3A_13 {add = true} : memref<640x16xf32, #tpu.memory_space<vmem>>[vector<16xi32>, vector<16xi32>], vector<16xf32>,
      %dma_wait3A_231 = arith.constant 0 : i32
      %dma_wait3A_232 = tpu.memref_slice %arg10[%min3A_146, %dma_wait3A_231] : memref<80x128xi32, #tpu.memory_space<vmem>> -> memref<1x128xi32, #tpu.memory_space<vmem>>
      %dma_wait3A_233 = tpu.memref_squeeze %dma_wait3A_232 : memref<1x128xi32, #tpu.memory_space<vmem>> -> memref<128xi32, #tpu.memory_space<vmem>>
      %dma_wait3A_234 = arith.constant 0 : i32
      %dma_wait3A_235 = arith.constant 0 : i32
      %dma_wait3A_236 = tpu.memref_slice %arg16[%dma_wait3A_234, %dma_wait3A_235] : memref<10240x64xf32, #tpu.memory_space<vmem_shared>> -> memref<10240x64xf32, #tpu.memory_space<vmem_shared>>
      tpu.wait_indirect_dma semaphore(%arg19 : memref<!tpu.dma_semaphore, #tpu.memory_space<semaphore_mem>>) src(%dma_wait3A_236 : memref<10240x64xf32, #tpu.memory_space<vmem_shared>>) dst(%arg12 : memref<128x64xf32, #tpu.memory_space<vmem>>)
      %dma_wait3A_237 = arith.constant 0 : i32
      %dma_wait3A_238 = tpu.memref_slice %arg11[%add3A_50, %dma_wait3A_237] : memref<80x128xi32, #tpu.memory_space<vmem>> -> memref<1x128xi32, #tpu.memory_space<vmem>>
      %dma_wait3A_239 = tpu.memref_squeeze %dma_wait3A_238 : memref<1x128xi32, #tpu.memory_space<vmem>> -> memref<128xi32, #tpu.memory_space<vmem>>
      %dma_wait3A_240 = arith.constant 0 : i32
      %dma_wait3A_241 = arith.constant 0 : i32
      %dma_wait3A_242 = tpu.memref_slice %arg17[%dma_wait3A_240, %dma_wait3A_241] : memref<10240x64xf32, #tpu.memory_space<vmem_shared>> -> memref<10240x64xf32, #tpu.memory_space<vmem_shared>>
      tpu.wait_indirect_dma semaphore(%arg22 : memref<!tpu.dma_semaphore, #tpu.memory_space<semaphore_mem>>) src(%arg13 : memref<128x64xf32, #tpu.memory_space<vmem>>) dst(%dma_wait3A_242 : memref<10240x64xf32, #tpu.memory_space<vmem_shared>>)
    }
    %scan3A_30 = arith.constant 40 : i32
    %run_scoped3A = arith.constant 0 : i32
    "tpu.region"() ({
      %run_scoped3A_44 = tpu.sem_alloc : memref<!tpu.dma_semaphore, #tpu.memory_space<semaphore_mem>>
      %dma_start3A_45 = arith.constant 0 : i32
      %dma_start3A_46 = arith.constant 0 : i32
      %dma_start3A_47 = tpu.memref_slice %arg14[%dma_start3A_45, %dma_start3A_46] : memref<640x16xf32, #tpu.memory_space<vmem>> -> memref<128x16xf32, #tpu.memory_space<vmem>>
      %dma_start3A_48 = arith.constant 0 : i32
      %dma_start3A_49 = tpu.memref_slice %arg15[%run_scoped3A, %dma_start3A_48] : memref<5x128xi32, #tpu.memory_space<vmem>> -> memref<1x128xi32, #tpu.memory_space<vmem>>
      %dma_start3A_50 = tpu.memref_squeeze %dma_start3A_49 : memref<1x128xi32, #tpu.memory_space<vmem>> -> memref<128xi32, #tpu.memory_space<vmem>>
      %dma_start3A_51 = arith.constant 0 : i32
      %dma_start3A_52 = arith.constant 0 : i32
      %dma_start3A_53 = tpu.memref_slice %arg18[%dma_start3A_51, %dma_start3A_52] : memref<640x16xf32, #tpu.memory_space<vmem_shared>> -> memref<640x16xf32, #tpu.memory_space<vmem_shared>>
      tpu.enqueue_indirect_dma source(%dma_start3A_47 : memref<128x16xf32, #tpu.memory_space<vmem>>) target(%dma_start3A_53 : memref<640x16xf32, #tpu.memory_space<vmem_shared>>) offsets(%dma_start3A_50 : memref<128xi32, #tpu.memory_space<vmem>>) semaphore(%run_scoped3A_44 : memref<!tpu.dma_semaphore, #tpu.memory_space<semaphore_mem>>) {add = true}
      %dma_wait3A_54 = arith.constant 0 : i32
      %dma_wait3A_55 = arith.constant 0 : i32
      %dma_wait3A_56 = tpu.memref_slice %arg14[%dma_wait3A_54, %dma_wait3A_55] : memref<640x16xf32, #tpu.memory_space<vmem>> -> memref<128x16xf32, #tpu.memory_space<vmem>>
      %dma_wait3A_57 = arith.constant 0 : i32
      %dma_wait3A_58 = tpu.memref_slice %arg15[%run_scoped3A, %dma_wait3A_57] : memref<5x128xi32, #tpu.memory_space<vmem>> -> memref<1x128xi32, #tpu.memory_space<vmem>>
      %dma_wait3A_59 = tpu.memref_squeeze %dma_wait3A_58 : memref<1x128xi32, #tpu.memory_space<vmem>> -> memref<128xi32, #tpu.memory_space<vmem>>
      %dma_wait3A_60 = arith.constant 0 : i32
      %dma_wait3A_61 = arith.constant 0 : i32
      %dma_wait3A_62 = tpu.memref_slice %arg18[%dma_wait3A_60, %dma_wait3A_61] : memref<640x16xf32, #tpu.memory_space<vmem_shared>> -> memref<640x16xf32, #tpu.memory_space<vmem_shared>>
      tpu.wait_indirect_dma semaphore(%run_scoped3A_44 : memref<!tpu.dma_semaphore, #tpu.memory_space<semaphore_mem>>) src(%dma_wait3A_56 : memref<128x16xf32, #tpu.memory_space<vmem>>) dst(%dma_wait3A_62 : memref<640x16xf32, #tpu.memory_space<vmem_shared>>)
      tpu.yield
    }) : () -> ()
    %run_scoped3A_31 = arith.constant 1 : i32
    "tpu.region"() ({
      %run_scoped3A_44 = tpu.sem_alloc : memref<!tpu.dma_semaphore, #tpu.memory_space<semaphore_mem>>
      %dma_start3A_45 = arith.constant 128 : i32
      %dma_start3A_46 = arith.constant 0 : i32
      %dma_start3A_47 = tpu.memref_slice %arg14[%dma_start3A_45, %dma_start3A_46] : memref<640x16xf32, #tpu.memory_space<vmem>> -> memref<128x16xf32, #tpu.memory_space<vmem>>
      %dma_start3A_48 = arith.constant 0 : i32
      %dma_start3A_49 = tpu.memref_slice %arg15[%run_scoped3A_31, %dma_start3A_48] : memref<5x128xi32, #tpu.memory_space<vmem>> -> memref<1x128xi32, #tpu.memory_space<vmem>>
      %dma_start3A_50 = tpu.memref_squeeze %dma_start3A_49 : memref<1x128xi32, #tpu.memory_space<vmem>> -> memref<128xi32, #tpu.memory_space<vmem>>
      %dma_start3A_51 = arith.constant 0 : i32
      %dma_start3A_52 = arith.constant 0 : i32
      %dma_start3A_53 = tpu.memref_slice %arg18[%dma_start3A_51, %dma_start3A_52] : memref<640x16xf32, #tpu.memory_space<vmem_shared>> -> memref<640x16xf32, #tpu.memory_space<vmem_shared>>
      tpu.enqueue_indirect_dma source(%dma_start3A_47 : memref<128x16xf32, #tpu.memory_space<vmem>>) target(%dma_start3A_53 : memref<640x16xf32, #tpu.memory_space<vmem_shared>>) offsets(%dma_start3A_50 : memref<128xi32, #tpu.memory_space<vmem>>) semaphore(%run_scoped3A_44 : memref<!tpu.dma_semaphore, #tpu.memory_space<semaphore_mem>>) {add = true}
      %dma_wait3A_54 = arith.constant 128 : i32
      %dma_wait3A_55 = arith.constant 0 : i32
      %dma_wait3A_56 = tpu.memref_slice %arg14[%dma_wait3A_54, %dma_wait3A_55] : memref<640x16xf32, #tpu.memory_space<vmem>> -> memref<128x16xf32, #tpu.memory_space<vmem>>
      %dma_wait3A_57 = arith.constant 0 : i32
      %dma_wait3A_58 = tpu.memref_slice %arg15[%run_scoped3A_31, %dma_wait3A_57] : memref<5x128xi32, #tpu.memory_space<vmem>> -> memref<1x128xi32, #tpu.memory_space<vmem>>
      %dma_wait3A_59 = tpu.memref_squeeze %dma_wait3A_58 : memref<1x128xi32, #tpu.memory_space<vmem>> -> memref<128xi32, #tpu.memory_space<vmem>>
      %dma_wait3A_60 = arith.constant 0 : i32
      %dma_wait3A_61 = arith.constant 0 : i32
      %dma_wait3A_62 = tpu.memref_slice %arg18[%dma_wait3A_60, %dma_wait3A_61] : memref<640x16xf32, #tpu.memory_space<vmem_shared>> -> memref<640x16xf32, #tpu.memory_space<vmem_shared>>
      tpu.wait_indirect_dma semaphore(%run_scoped3A_44 : memref<!tpu.dma_semaphore, #tpu.memory_space<semaphore_mem>>) src(%dma_wait3A_56 : memref<128x16xf32, #tpu.memory_space<vmem>>) dst(%dma_wait3A_62 : memref<640x16xf32, #tpu.memory_space<vmem_shared>>)
      tpu.yield
    }) : () -> ()
    %run_scoped3A_32 = arith.constant 2 : i32
    "tpu.region"() ({
      %run_scoped3A_44 = tpu.sem_alloc : memref<!tpu.dma_semaphore, #tpu.memory_space<semaphore_mem>>
      %dma_start3A_45 = arith.constant 256 : i32
      %dma_start3A_46 = arith.constant 0 : i32
      %dma_start3A_47 = tpu.memref_slice %arg14[%dma_start3A_45, %dma_start3A_46] : memref<640x16xf32, #tpu.memory_space<vmem>> -> memref<128x16xf32, #tpu.memory_space<vmem>>
      %dma_start3A_48 = arith.constant 0 : i32
      %dma_start3A_49 = tpu.memref_slice %arg15[%run_scoped3A_32, %dma_start3A_48] : memref<5x128xi32, #tpu.memory_space<vmem>> -> memref<1x128xi32, #tpu.memory_space<vmem>>
      %dma_start3A_50 = tpu.memref_squeeze %dma_start3A_49 : memref<1x128xi32, #tpu.memory_space<vmem>> -> memref<128xi32, #tpu.memory_space<vmem>>
      %dma_start3A_51 = arith.constant 0 : i32
      %dma_start3A_52 = arith.constant 0 : i32
      %dma_start3A_53 = tpu.memref_slice %arg18[%dma_start3A_51, %dma_start3A_52] : memref<640x16xf32, #tpu.memory_space<vmem_shared>> -> memref<640x16xf32, #tpu.memory_space<vmem_shared>>
      tpu.enqueue_indirect_dma source(%dma_start3A_47 : memref<128x16xf32, #tpu.memory_space<vmem>>) target(%dma_start3A_53 : memref<640x16xf32, #tpu.memory_space<vmem_shared>>) offsets(%dma_start3A_50 : memref<128xi32, #tpu.memory_space<vmem>>) semaphore(%run_scoped3A_44 : memref<!tpu.dma_semaphore, #tpu.memory_space<semaphore_mem>>) {add = true}
      %dma_wait3A_54 = arith.constant 256 : i32
      %dma_wait3A_55 = arith.constant 0 : i32
      %dma_wait3A_56 = tpu.memref_slice %arg14[%dma_wait3A_54, %dma_wait3A_55] : memref<640x16xf32, #tpu.memory_space<vmem>> -> memref<128x16xf32, #tpu.memory_space<vmem>>
      %dma_wait3A_57 = arith.constant 0 : i32
      %dma_wait3A_58 = tpu.memref_slice %arg15[%run_scoped3A_32, %dma_wait3A_57] : memref<5x128xi32, #tpu.memory_space<vmem>> -> memref<1x128xi32, #tpu.memory_space<vmem>>
      %dma_wait3A_59 = tpu.memref_squeeze %dma_wait3A_58 : memref<1x128xi32, #tpu.memory_space<vmem>> -> memref<128xi32, #tpu.memory_space<vmem>>
      %dma_wait3A_60 = arith.constant 0 : i32
      %dma_wait3A_61 = arith.constant 0 : i32
      %dma_wait3A_62 = tpu.memref_slice %arg18[%dma_wait3A_60, %dma_wait3A_61] : memref<640x16xf32, #tpu.memory_space<vmem_shared>> -> memref<640x16xf32, #tpu.memory_space<vmem_shared>>
      tpu.wait_indirect_dma semaphore(%run_scoped3A_44 : memref<!tpu.dma_semaphore, #tpu.memory_space<semaphore_mem>>) src(%dma_wait3A_56 : memref<128x16xf32, #tpu.memory_space<vmem>>) dst(%dma_wait3A_62 : memref<640x16xf32, #tpu.memory_space<vmem_shared>>)
      tpu.yield
    }) : () -> ()
    %run_scoped3A_33 = arith.constant 3 : i32
    "tpu.region"() ({
      %run_scoped3A_44 = tpu.sem_alloc : memref<!tpu.dma_semaphore, #tpu.memory_space<semaphore_mem>>
      %dma_start3A_45 = arith.constant 384 : i32
      %dma_start3A_46 = arith.constant 0 : i32
      %dma_start3A_47 = tpu.memref_slice %arg14[%dma_start3A_45, %dma_start3A_46] : memref<640x16xf32, #tpu.memory_space<vmem>> -> memref<128x16xf32, #tpu.memory_space<vmem>>
      %dma_start3A_48 = arith.constant 0 : i32
      %dma_start3A_49 = tpu.memref_slice %arg15[%run_scoped3A_33, %dma_start3A_48] : memref<5x128xi32, #tpu.memory_space<vmem>> -> memref<1x128xi32, #tpu.memory_space<vmem>>
      %dma_start3A_50 = tpu.memref_squeeze %dma_start3A_49 : memref<1x128xi32, #tpu.memory_space<vmem>> -> memref<128xi32, #tpu.memory_space<vmem>>
      %dma_start3A_51 = arith.constant 0 : i32
      %dma_start3A_52 = arith.constant 0 : i32
      %dma_start3A_53 = tpu.memref_slice %arg18[%dma_start3A_51, %dma_start3A_52] : memref<640x16xf32, #tpu.memory_space<vmem_shared>> -> memref<640x16xf32, #tpu.memory_space<vmem_shared>>
      tpu.enqueue_indirect_dma source(%dma_start3A_47 : memref<128x16xf32, #tpu.memory_space<vmem>>) target(%dma_start3A_53 : memref<640x16xf32, #tpu.memory_space<vmem_shared>>) offsets(%dma_start3A_50 : memref<128xi32, #tpu.memory_space<vmem>>) semaphore(%run_scoped3A_44 : memref<!tpu.dma_semaphore, #tpu.memory_space<semaphore_mem>>) {add = true}
      %dma_wait3A_54 = arith.constant 384 : i32
      %dma_wait3A_55 = arith.constant 0 : i32
      %dma_wait3A_56 = tpu.memref_slice %arg14[%dma_wait3A_54, %dma_wait3A_55] : memref<640x16xf32, #tpu.memory_space<vmem>> -> memref<128x16xf32, #tpu.memory_space<vmem>>
      %dma_wait3A_57 = arith.constant 0 : i32
      %dma_wait3A_58 = tpu.memref_slice %arg15[%run_scoped3A_33, %dma_wait3A_57] : memref<5x128xi32, #tpu.memory_space<vmem>> -> memref<1x128xi32, #tpu.memory_space<vmem>>
      %dma_wait3A_59 = tpu.memref_squeeze %dma_wait3A_58 : memref<1x128xi32, #tpu.memory_space<vmem>> -> memref<128xi32, #tpu.memory_space<vmem>>
      %dma_wait3A_60 = arith.constant 0 : i32
      %dma_wait3A_61 = arith.constant 0 : i32
      %dma_wait3A_62 = tpu.memref_slice %arg18[%dma_wait3A_60, %dma_wait3A_61] : memref<640x16xf32, #tpu.memory_space<vmem_shared>> -> memref<640x16xf32, #tpu.memory_space<vmem_shared>>
      tpu.wait_indirect_dma semaphore(%run_scoped3A_44 : memref<!tpu.dma_semaphore, #tpu.memory_space<semaphore_mem>>) src(%dma_wait3A_56 : memref<128x16xf32, #tpu.memory_space<vmem>>) dst(%dma_wait3A_62 : memref<640x16xf32, #tpu.memory_space<vmem_shared>>)
      tpu.yield
    }) : () -> ()
    %run_scoped3A_34 = arith.constant 4 : i32
    "tpu.region"() ({
      %run_scoped3A_44 = tpu.sem_alloc : memref<!tpu.dma_semaphore, #tpu.memory_space<semaphore_mem>>
      %dma_start3A_45 = arith.constant 512 : i32
      %dma_start3A_46 = arith.constant 0 : i32
      %dma_start3A_47 = tpu.memref_slice %arg14[%dma_start3A_45, %dma_start3A_46] : memref<640x16xf32, #tpu.memory_space<vmem>> -> memref<128x16xf32, #tpu.memory_space<vmem>>
      %dma_start3A_48 = arith.constant 0 : i32
      %dma_start3A_49 = tpu.memref_slice %arg15[%run_scoped3A_34, %dma_start3A_48] : memref<5x128xi32, #tpu.memory_space<vmem>> -> memref<1x128xi32, #tpu.memory_space<vmem>>
      %dma_start3A_50 = tpu.memref_squeeze %dma_start3A_49 : memref<1x128xi32, #tpu.memory_space<vmem>> -> memref<128xi32, #tpu.memory_space<vmem>>
      %dma_start3A_51 = arith.constant 0 : i32
      %dma_start3A_52 = arith.constant 0 : i32
      %dma_start3A_53 = tpu.memref_slice %arg18[%dma_start3A_51, %dma_start3A_52] : memref<640x16xf32, #tpu.memory_space<vmem_shared>> -> memref<640x16xf32, #tpu.memory_space<vmem_shared>>
      tpu.enqueue_indirect_dma source(%dma_start3A_47 : memref<128x16xf32, #tpu.memory_space<vmem>>) target(%dma_start3A_53 : memref<640x16xf32, #tpu.memory_space<vmem_shared>>) offsets(%dma_start3A_50 : memref<128xi32, #tpu.memory_space<vmem>>) semaphore(%run_scoped3A_44 : memref<!tpu.dma_semaphore, #tpu.memory_space<semaphore_mem>>) {add = true}
      %dma_wait3A_54 = arith.constant 512 : i32
      %dma_wait3A_55 = arith.constant 0 : i32
      %dma_wait3A_56 = tpu.memref_slice %arg14[%dma_wait3A_54, %dma_wait3A_55] : memref<640x16xf32, #tpu.memory_space<vmem>> -> memref<128x16xf32, #tpu.memory_space<vmem>>
      %dma_wait3A_57 = arith.constant 0 : i32
      %dma_wait3A_58 = tpu.memref_slice %arg15[%run_scoped3A_34, %dma_wait3A_57] : memref<5x128xi32, #tpu.memory_space<vmem>> -> memref<1x128xi32, #tpu.memory_space<vmem>>
      %dma_wait3A_59 = tpu.memref_squeeze %dma_wait3A_58 : memref<1x128xi32, #tpu.memory_space<vmem>> -> memref<128xi32, #tpu.memory_space<vmem>>
      %dma_wait3A_60 = arith.constant 0 : i32
      %dma_wait3A_61 = arith.constant 0 : i32
      %dma_wait3A_62 = tpu.memref_slice %arg18[%dma_wait3A_60, %dma_wait3A_61] : memref<640x16xf32, #tpu.memory_space<vmem_shared>> -> memref<640x16xf32, #tpu.memory_space<vmem_shared>>
      tpu.wait_indirect_dma semaphore(%run_scoped3A_44 : memref<!tpu.dma_semaphore, #tpu.memory_space<semaphore_mem>>) src(%dma_wait3A_56 : memref<128x16xf32, #tpu.memory_space<vmem>>) dst(%dma_wait3A_62 : memref<640x16xf32, #tpu.memory_space<vmem_shared>>)
      tpu.yield
    }) : () -> ()
    %barrier3A_35 = arith.constant 0 : index
    tpu.barrier barrier_id(%barrier3A_35)
    %mul3A_36 = arith.constant 640 : i32
    %mul3A_37 = arith.muli %arg1, %mul3A_36 : i32
    %mul3A_38 = arith.constant 640 : i32
    %mul3A_39 = arith.muli %arg1, %mul3A_38 : i32
    "tpu.region"() ({
      %run_scoped3A_44 = tpu.sem_alloc : memref<!tpu.dma_semaphore, #tpu.memory_space<semaphore_mem>>
      %dma_start3A_45 = arith.constant 0 : i32
      %dma_start3A_46 = arith.constant 0 : i32
      %dma_start3A_47 = tpu.memref_slice %arg8[%arg0, %dma_start3A_45, %dma_start3A_46] : memref<2x10240x64xf32, #tpu.memory_space<hbm>> -> memref<1x10240x64xf32, #tpu.memory_space<hbm>>
      %dma_start3A_48 = tpu.memref_squeeze %dma_start3A_47 : memref<1x10240x64xf32, #tpu.memory_space<hbm>> -> memref<10240x64xf32, #tpu.memory_space<hbm>>
      %dma_start3A_49 = arith.constant 0 : i32
      %dma_start3A_50 = tpu.memref_slice %dma_start3A_48[%mul3A_39, %dma_start3A_49] : memref<10240x64xf32, #tpu.memory_space<hbm>> -> memref<640x64xf32, #tpu.memory_space<hbm>>
      %dma_start3A_51 = arith.constant 0 : i32
      %dma_start3A_52 = tpu.memref_slice %arg17[%mul3A_37, %dma_start3A_51] : memref<10240x64xf32, #tpu.memory_space<vmem_shared>> -> memref<640x64xf32, #tpu.memory_space<vmem_shared>>
      tpu.enqueue_dma source(%dma_start3A_52 : memref<640x64xf32, #tpu.memory_space<vmem_shared>>) target(%dma_start3A_50 : memref<640x64xf32, #tpu.memory_space<hbm>>) target_semaphore(%run_scoped3A_44 : memref<!tpu.dma_semaphore, #tpu.memory_space<semaphore_mem>>)
      %dma_wait3A_53 = arith.constant 0 : i32
      %dma_wait3A_54 = arith.constant 0 : i32
      %dma_wait3A_55 = tpu.memref_slice %arg8[%arg0, %dma_wait3A_53, %dma_wait3A_54] : memref<2x10240x64xf32, #tpu.memory_space<hbm>> -> memref<1x10240x64xf32, #tpu.memory_space<hbm>>
      %dma_wait3A_56 = tpu.memref_squeeze %dma_wait3A_55 : memref<1x10240x64xf32, #tpu.memory_space<hbm>> -> memref<10240x64xf32, #tpu.memory_space<hbm>>
      %dma_wait3A_57 = arith.constant 0 : i32
      %dma_wait3A_58 = tpu.memref_slice %dma_wait3A_56[%mul3A_39, %dma_wait3A_57] : memref<10240x64xf32, #tpu.memory_space<hbm>> -> memref<640x64xf32, #tpu.memory_space<hbm>>
      %dma_wait3A_59 = arith.constant 0 : i32
      %dma_wait3A_60 = tpu.memref_slice %arg17[%mul3A_37, %dma_wait3A_59] : memref<10240x64xf32, #tpu.memory_space<vmem_shared>> -> memref<640x64xf32, #tpu.memory_space<vmem_shared>>
      tpu.wait_dma2 semaphore(%run_scoped3A_44 : memref<!tpu.dma_semaphore, #tpu.memory_space<semaphore_mem>>) src(%dma_wait3A_60 : memref<640x64xf32, #tpu.memory_space<vmem_shared>>) dst(%dma_wait3A_58 : memref<640x64xf32, #tpu.memory_space<hbm>>)
      tpu.yield
    }) : () -> ()
    %mul3A_40 = arith.constant 40 : i32
    %mul3A_41 = arith.muli %arg1, %mul3A_40 : i32
    %mul3A_42 = arith.constant 40 : i32
    %mul3A_43 = arith.muli %arg1, %mul3A_42 : i32
    "tpu.region"() ({
      %run_scoped3A_44 = tpu.sem_alloc : memref<!tpu.dma_semaphore, #tpu.memory_space<semaphore_mem>>
      %dma_start3A_45 = arith.constant 0 : i32
      %dma_start3A_46 = arith.constant 0 : i32
      %dma_start3A_47 = tpu.memref_slice %arg9[%arg0, %dma_start3A_45, %dma_start3A_46] : memref<2x640x16xf32, #tpu.memory_space<hbm>> -> memref<1x640x16xf32, #tpu.memory_space<hbm>>
      %dma_start3A_48 = tpu.memref_squeeze %dma_start3A_47 : memref<1x640x16xf32, #tpu.memory_space<hbm>> -> memref<640x16xf32, #tpu.memory_space<hbm>>
      %dma_start3A_49 = arith.constant 0 : i32
      %dma_start3A_50 = tpu.memref_slice %dma_start3A_48[%mul3A_43, %dma_start3A_49] : memref<640x16xf32, #tpu.memory_space<hbm>> -> memref<40x16xf32, #tpu.memory_space<hbm>>
      %dma_start3A_51 = arith.constant 0 : i32
      %dma_start3A_52 = tpu.memref_slice %arg18[%mul3A_41, %dma_start3A_51] : memref<640x16xf32, #tpu.memory_space<vmem_shared>> -> memref<40x16xf32, #tpu.memory_space<vmem_shared>>
      tpu.enqueue_dma source(%dma_start3A_52 : memref<40x16xf32, #tpu.memory_space<vmem_shared>>) target(%dma_start3A_50 : memref<40x16xf32, #tpu.memory_space<hbm>>) target_semaphore(%run_scoped3A_44 : memref<!tpu.dma_semaphore, #tpu.memory_space<semaphore_mem>>)
      %dma_wait3A_53 = arith.constant 0 : i32
      %dma_wait3A_54 = arith.constant 0 : i32
      %dma_wait3A_55 = tpu.memref_slice %arg9[%arg0, %dma_wait3A_53, %dma_wait3A_54] : memref<2x640x16xf32, #tpu.memory_space<hbm>> -> memref<1x640x16xf32, #tpu.memory_space<hbm>>
      %dma_wait3A_56 = tpu.memref_squeeze %dma_wait3A_55 : memref<1x640x16xf32, #tpu.memory_space<hbm>> -> memref<640x16xf32, #tpu.memory_space<hbm>>
      %dma_wait3A_57 = arith.constant 0 : i32
      %dma_wait3A_58 = tpu.memref_slice %dma_wait3A_56[%mul3A_43, %dma_wait3A_57] : memref<640x16xf32, #tpu.memory_space<hbm>> -> memref<40x16xf32, #tpu.memory_space<hbm>>
      %dma_wait3A_59 = arith.constant 0 : i32
      %dma_wait3A_60 = tpu.memref_slice %arg18[%mul3A_41, %dma_wait3A_59] : memref<640x16xf32, #tpu.memory_space<vmem_shared>> -> memref<40x16xf32, #tpu.memory_space<vmem_shared>>
      tpu.wait_dma2 semaphore(%run_scoped3A_44 : memref<!tpu.dma_semaphore, #tpu.memory_space<semaphore_mem>>) src(%dma_wait3A_60 : memref<40x16xf32, #tpu.memory_space<vmem_shared>>) dst(%dma_wait3A_58 : memref<40x16xf32, #tpu.memory_space<hbm>>)
      tpu.yield
    }) : () -> ()
    return
  }
}

#map = affine_map<(d0, d1) -> (0, 0)>
#map1 = affine_map<(d0, d1) -> (0, 0, 0)>
module attributes {stable_mosaic.version = 14 : i64} {
  func.func @_edge2(%arg0: i32, %arg1: i32, %arg2: memref<10240x32xf32, #tpu.memory_space<hbm>>, %arg3: memref<32x80x128xi32, #tpu.memory_space<hbm>>, %arg4: memref<32x80x128xi32, #tpu.memory_space<hbm>>, %arg5: memref<10240x32xf32, #tpu.memory_space<hbm>>, %arg6: memref<2x10240x32xf32, #tpu.memory_space<hbm>>, %arg7: memref<80x128xi32, #tpu.memory_space<vmem>>, %arg8: memref<80x128xi32, #tpu.memory_space<vmem>>, %arg9: memref<128x32xf32, #tpu.memory_space<vmem>>, %arg10: memref<128x32xf32, #tpu.memory_space<vmem>>, %arg11: memref<10240x32xf32, #tpu.memory_space<vmem_shared>>, %arg12: memref<10240x32xf32, #tpu.memory_space<vmem_shared>>, %arg13: memref<!tpu.dma_semaphore, #tpu.memory_space<semaphore_mem>>, %arg14: memref<!tpu.dma_semaphore, #tpu.memory_space<semaphore_mem>>, %arg15: memref<!tpu.dma_semaphore, #tpu.memory_space<semaphore_mem>>, %arg16: memref<!tpu.dma_semaphore, #tpu.memory_space<semaphore_mem>>) attributes {dimension_semantics = [#tpu.dimension_semantics<core_parallel>, #tpu.dimension_semantics<subcore_parallel>], iteration_bounds = array<i64: 2, 16>, scalar_prefetch = 0 : i64, scratch_operands = 10 : i64, tpu.core_type = #tpu.core_type<sc_vector_subcore>, window_params = [{transform_indices = #map}, {transform_indices = #map1}, {transform_indices = #map1}, {transform_indices = #map}, {transform_indices = #map1}]} {
    %mul3A = arith.constant 2 : i32
    %mul3A_0 = arith.muli %arg1, %mul3A : i32
    %add3A = arith.addi %mul3A_0, %arg0 : i32
    "tpu.region"() ({
      %run_scoped3A = tpu.sem_alloc : memref<!tpu.dma_semaphore, #tpu.memory_space<semaphore_mem>>
      %dma_start3A_31 = arith.constant 0 : i32
      %dma_start3A_32 = arith.constant 0 : i32
      %dma_start3A_33 = tpu.memref_slice %arg3[%add3A, %dma_start3A_31, %dma_start3A_32] : memref<32x80x128xi32, #tpu.memory_space<hbm>> -> memref<1x80x128xi32, #tpu.memory_space<hbm>>
      %dma_start3A_34 = tpu.memref_squeeze %dma_start3A_33 : memref<1x80x128xi32, #tpu.memory_space<hbm>> -> memref<80x128xi32, #tpu.memory_space<hbm>>
      %dma_start3A_35 = arith.constant 0 : i32
      %dma_start3A_36 = arith.constant 0 : i32
      %dma_start3A_37 = tpu.memref_slice %arg3[%add3A, %dma_start3A_35, %dma_start3A_36] : memref<32x80x128xi32, #tpu.memory_space<hbm>> -> memref<1x80x128xi32, #tpu.memory_space<hbm>>
      %dma_start3A_38 = tpu.memref_squeeze %dma_start3A_37 : memref<1x80x128xi32, #tpu.memory_space<hbm>> -> memref<80x128xi32, #tpu.memory_space<hbm>>
      tpu.enqueue_dma source(%dma_start3A_38 : memref<80x128xi32, #tpu.memory_space<hbm>>) target(%arg7 : memref<80x128xi32, #tpu.memory_space<vmem>>) target_semaphore(%run_scoped3A : memref<!tpu.dma_semaphore, #tpu.memory_space<semaphore_mem>>)
      %dma_wait3A_39 = arith.constant 0 : i32
      %dma_wait3A_40 = arith.constant 0 : i32
      %dma_wait3A_41 = tpu.memref_slice %arg3[%add3A, %dma_wait3A_39, %dma_wait3A_40] : memref<32x80x128xi32, #tpu.memory_space<hbm>> -> memref<1x80x128xi32, #tpu.memory_space<hbm>>
      %dma_wait3A_42 = tpu.memref_squeeze %dma_wait3A_41 : memref<1x80x128xi32, #tpu.memory_space<hbm>> -> memref<80x128xi32, #tpu.memory_space<hbm>>
      %dma_wait3A_43 = arith.constant 0 : i32
      %dma_wait3A_44 = arith.constant 0 : i32
      %dma_wait3A_45 = tpu.memref_slice %arg3[%add3A, %dma_wait3A_43, %dma_wait3A_44] : memref<32x80x128xi32, #tpu.memory_space<hbm>> -> memref<1x80x128xi32, #tpu.memory_space<hbm>>
      %dma_wait3A_46 = tpu.memref_squeeze %dma_wait3A_45 : memref<1x80x128xi32, #tpu.memory_space<hbm>> -> memref<80x128xi32, #tpu.memory_space<hbm>>
      tpu.wait_dma2 semaphore(%run_scoped3A : memref<!tpu.dma_semaphore, #tpu.memory_space<semaphore_mem>>) src(%dma_wait3A_46 : memref<80x128xi32, #tpu.memory_space<hbm>>) dst(%arg7 : memref<80x128xi32, #tpu.memory_space<vmem>>)
      tpu.yield
    }) : () -> ()
    "tpu.region"() ({
      %run_scoped3A = tpu.sem_alloc : memref<!tpu.dma_semaphore, #tpu.memory_space<semaphore_mem>>
      %dma_start3A_31 = arith.constant 0 : i32
      %dma_start3A_32 = arith.constant 0 : i32
      %dma_start3A_33 = tpu.memref_slice %arg4[%add3A, %dma_start3A_31, %dma_start3A_32] : memref<32x80x128xi32, #tpu.memory_space<hbm>> -> memref<1x80x128xi32, #tpu.memory_space<hbm>>
      %dma_start3A_34 = tpu.memref_squeeze %dma_start3A_33 : memref<1x80x128xi32, #tpu.memory_space<hbm>> -> memref<80x128xi32, #tpu.memory_space<hbm>>
      %dma_start3A_35 = arith.constant 0 : i32
      %dma_start3A_36 = arith.constant 0 : i32
      %dma_start3A_37 = tpu.memref_slice %arg4[%add3A, %dma_start3A_35, %dma_start3A_36] : memref<32x80x128xi32, #tpu.memory_space<hbm>> -> memref<1x80x128xi32, #tpu.memory_space<hbm>>
      %dma_start3A_38 = tpu.memref_squeeze %dma_start3A_37 : memref<1x80x128xi32, #tpu.memory_space<hbm>> -> memref<80x128xi32, #tpu.memory_space<hbm>>
      tpu.enqueue_dma source(%dma_start3A_38 : memref<80x128xi32, #tpu.memory_space<hbm>>) target(%arg8 : memref<80x128xi32, #tpu.memory_space<vmem>>) target_semaphore(%run_scoped3A : memref<!tpu.dma_semaphore, #tpu.memory_space<semaphore_mem>>)
      %dma_wait3A_39 = arith.constant 0 : i32
      %dma_wait3A_40 = arith.constant 0 : i32
      %dma_wait3A_41 = tpu.memref_slice %arg4[%add3A, %dma_wait3A_39, %dma_wait3A_40] : memref<32x80x128xi32, #tpu.memory_space<hbm>> -> memref<1x80x128xi32, #tpu.memory_space<hbm>>
      %dma_wait3A_42 = tpu.memref_squeeze %dma_wait3A_41 : memref<1x80x128xi32, #tpu.memory_space<hbm>> -> memref<80x128xi32, #tpu.memory_space<hbm>>
      %dma_wait3A_43 = arith.constant 0 : i32
      %dma_wait3A_44 = arith.constant 0 : i32
      %dma_wait3A_45 = tpu.memref_slice %arg4[%add3A, %dma_wait3A_43, %dma_wait3A_44] : memref<32x80x128xi32, #tpu.memory_space<hbm>> -> memref<1x80x128xi32, #tpu.memory_space<hbm>>
      %dma_wait3A_46 = tpu.memref_squeeze %dma_wait3A_45 : memref<1x80x128xi32, #tpu.memory_space<hbm>> -> memref<80x128xi32, #tpu.memory_space<hbm>>
      tpu.wait_dma2 semaphore(%run_scoped3A : memref<!tpu.dma_semaphore, #tpu.memory_space<semaphore_mem>>) src(%dma_wait3A_46 : memref<80x128xi32, #tpu.memory_space<hbm>>) dst(%arg8 : memref<80x128xi32, #tpu.memory_space<vmem>>)
      tpu.yield
    }) : () -> ()
    %mul3A_1 = arith.constant 640 : i32
    %mul3A_2 = arith.muli %arg1, %mul3A_1 : i32
    %mul3A_3 = arith.constant 640 : i32
    %mul3A_4 = arith.muli %arg1, %mul3A_3 : i32
    "tpu.region"() ({
      %run_scoped3A = tpu.sem_alloc : memref<!tpu.dma_semaphore, #tpu.memory_space<semaphore_mem>>
      %dma_start3A_31 = arith.constant 0 : i32
      %dma_start3A_32 = tpu.memref_slice %arg12[%mul3A_4, %dma_start3A_31] : memref<10240x32xf32, #tpu.memory_space<vmem_shared>> -> memref<640x32xf32, #tpu.memory_space<vmem_shared>>
      %dma_start3A_33 = arith.constant 0 : i32
      %dma_start3A_34 = tpu.memref_slice %arg5[%mul3A_2, %dma_start3A_33] : memref<10240x32xf32, #tpu.memory_space<hbm>> -> memref<640x32xf32, #tpu.memory_space<hbm>>
      tpu.enqueue_dma source(%dma_start3A_34 : memref<640x32xf32, #tpu.memory_space<hbm>>) target(%dma_start3A_32 : memref<640x32xf32, #tpu.memory_space<vmem_shared>>) target_semaphore(%run_scoped3A : memref<!tpu.dma_semaphore, #tpu.memory_space<semaphore_mem>>)
      %dma_wait3A_35 = arith.constant 0 : i32
      %dma_wait3A_36 = tpu.memref_slice %arg12[%mul3A_4, %dma_wait3A_35] : memref<10240x32xf32, #tpu.memory_space<vmem_shared>> -> memref<640x32xf32, #tpu.memory_space<vmem_shared>>
      %dma_wait3A_37 = arith.constant 0 : i32
      %dma_wait3A_38 = tpu.memref_slice %arg5[%mul3A_2, %dma_wait3A_37] : memref<10240x32xf32, #tpu.memory_space<hbm>> -> memref<640x32xf32, #tpu.memory_space<hbm>>
      tpu.wait_dma2 semaphore(%run_scoped3A : memref<!tpu.dma_semaphore, #tpu.memory_space<semaphore_mem>>) src(%dma_wait3A_38 : memref<640x32xf32, #tpu.memory_space<hbm>>) dst(%dma_wait3A_36 : memref<640x32xf32, #tpu.memory_space<vmem_shared>>)
      tpu.yield
    }) : () -> ()
    %mul3A_5 = arith.constant 640 : i32
    %mul3A_6 = arith.muli %arg1, %mul3A_5 : i32
    %mul3A_7 = arith.constant 640 : i32
    %mul3A_8 = arith.muli %arg1, %mul3A_7 : i32
    "tpu.region"() ({
      %run_scoped3A = tpu.sem_alloc : memref<!tpu.dma_semaphore, #tpu.memory_space<semaphore_mem>>
      %dma_start3A_31 = arith.constant 0 : i32
      %dma_start3A_32 = tpu.memref_slice %arg11[%mul3A_8, %dma_start3A_31] : memref<10240x32xf32, #tpu.memory_space<vmem_shared>> -> memref<640x32xf32, #tpu.memory_space<vmem_shared>>
      %dma_start3A_33 = arith.constant 0 : i32
      %dma_start3A_34 = tpu.memref_slice %arg2[%mul3A_6, %dma_start3A_33] : memref<10240x32xf32, #tpu.memory_space<hbm>> -> memref<640x32xf32, #tpu.memory_space<hbm>>
      tpu.enqueue_dma source(%dma_start3A_34 : memref<640x32xf32, #tpu.memory_space<hbm>>) target(%dma_start3A_32 : memref<640x32xf32, #tpu.memory_space<vmem_shared>>) target_semaphore(%run_scoped3A : memref<!tpu.dma_semaphore, #tpu.memory_space<semaphore_mem>>)
      %dma_wait3A_35 = arith.constant 0 : i32
      %dma_wait3A_36 = tpu.memref_slice %arg11[%mul3A_8, %dma_wait3A_35] : memref<10240x32xf32, #tpu.memory_space<vmem_shared>> -> memref<640x32xf32, #tpu.memory_space<vmem_shared>>
      %dma_wait3A_37 = arith.constant 0 : i32
      %dma_wait3A_38 = tpu.memref_slice %arg2[%mul3A_6, %dma_wait3A_37] : memref<10240x32xf32, #tpu.memory_space<hbm>> -> memref<640x32xf32, #tpu.memory_space<hbm>>
      tpu.wait_dma2 semaphore(%run_scoped3A : memref<!tpu.dma_semaphore, #tpu.memory_space<semaphore_mem>>) src(%dma_wait3A_38 : memref<640x32xf32, #tpu.memory_space<hbm>>) dst(%dma_wait3A_36 : memref<640x32xf32, #tpu.memory_space<vmem_shared>>)
      tpu.yield
    }) : () -> ()
    %barrier3A = arith.constant 0 : index
    tpu.barrier barrier_id(%barrier3A)
    %dma_start3A = arith.constant 0 : i32
    %dma_start3A_9 = arith.constant 0 : i32
    %dma_start3A_10 = tpu.memref_slice %arg7[%dma_start3A, %dma_start3A_9] : memref<80x128xi32, #tpu.memory_space<vmem>> -> memref<1x128xi32, #tpu.memory_space<vmem>>
    %dma_start3A_11 = tpu.memref_squeeze %dma_start3A_10 : memref<1x128xi32, #tpu.memory_space<vmem>> -> memref<128xi32, #tpu.memory_space<vmem>>
    %dma_start3A_12 = arith.constant 0 : i32
    %dma_start3A_13 = arith.constant 0 : i32
    %dma_start3A_14 = tpu.memref_slice %arg11[%dma_start3A_12, %dma_start3A_13] : memref<10240x32xf32, #tpu.memory_space<vmem_shared>> -> memref<10240x32xf32, #tpu.memory_space<vmem_shared>>
    tpu.enqueue_indirect_dma source(%dma_start3A_14 : memref<10240x32xf32, #tpu.memory_space<vmem_shared>>) target(%arg9 : memref<128x32xf32, #tpu.memory_space<vmem>>) offsets(%dma_start3A_11 : memref<128xi32, #tpu.memory_space<vmem>>) semaphore(%arg13 : memref<!tpu.dma_semaphore, #tpu.memory_space<semaphore_mem>>)
    %dma_wait3A = arith.constant 0 : i32
    %dma_wait3A_15 = arith.constant 0 : i32
    %dma_wait3A_16 = tpu.memref_slice %arg7[%dma_wait3A, %dma_wait3A_15] : memref<80x128xi32, #tpu.memory_space<vmem>> -> memref<1x128xi32, #tpu.memory_space<vmem>>
    %dma_wait3A_17 = tpu.memref_squeeze %dma_wait3A_16 : memref<1x128xi32, #tpu.memory_space<vmem>> -> memref<128xi32, #tpu.memory_space<vmem>>
    %dma_wait3A_18 = arith.constant 0 : i32
    %dma_wait3A_19 = arith.constant 0 : i32
    %dma_wait3A_20 = tpu.memref_slice %arg11[%dma_wait3A_18, %dma_wait3A_19] : memref<10240x32xf32, #tpu.memory_space<vmem_shared>> -> memref<10240x32xf32, #tpu.memory_space<vmem_shared>>
    tpu.wait_indirect_dma semaphore(%arg13 : memref<!tpu.dma_semaphore, #tpu.memory_space<semaphore_mem>>) src(%dma_wait3A_20 : memref<10240x32xf32, #tpu.memory_space<vmem_shared>>) dst(%arg9 : memref<128x32xf32, #tpu.memory_space<vmem>>)
    %scan3A = arith.constant 0 : i32
    %scan3A_21 = arith.constant 0 : i32
    %scan3A_22 = arith.constant 40 : i32
    %scan3A_23 = arith.addi %scan3A_21, %scan3A_22 : i32
    %scan3A_24 = arith.constant 1 : i32
    scf.for %scan3A_31 = %scan3A_21 to %scan3A_23 step %scan3A_24  : i32 {
      %mul3A_32 = arith.constant 2 : i32
      %mul3A_33 = arith.muli %mul3A_32, %scan3A_31 : i32
      %mul3A_34 = arith.constant 2 : i32
      %mul3A_35 = arith.muli %mul3A_34, %scan3A_31 : i32
      %add3A_36 = arith.constant 1 : i32
      %add3A_37 = arith.addi %mul3A_35, %add3A_36 : i32
      %dma_start3A_38 = arith.constant 0 : i32
      %dma_start3A_39 = tpu.memref_slice %arg7[%add3A_37, %dma_start3A_38] : memref<80x128xi32, #tpu.memory_space<vmem>> -> memref<1x128xi32, #tpu.memory_space<vmem>>
      %dma_start3A_40 = tpu.memref_squeeze %dma_start3A_39 : memref<1x128xi32, #tpu.memory_space<vmem>> -> memref<128xi32, #tpu.memory_space<vmem>>
      %dma_start3A_41 = arith.constant 0 : i32
      %dma_start3A_42 = arith.constant 0 : i32
      %dma_start3A_43 = tpu.memref_slice %arg11[%dma_start3A_41, %dma_start3A_42] : memref<10240x32xf32, #tpu.memory_space<vmem_shared>> -> memref<10240x32xf32, #tpu.memory_space<vmem_shared>>
      tpu.enqueue_indirect_dma source(%dma_start3A_43 : memref<10240x32xf32, #tpu.memory_space<vmem_shared>>) target(%arg10 : memref<128x32xf32, #tpu.memory_space<vmem>>) offsets(%dma_start3A_40 : memref<128xi32, #tpu.memory_space<vmem>>) semaphore(%arg14 : memref<!tpu.dma_semaphore, #tpu.memory_space<semaphore_mem>>)
      %dma_start3A_44 = arith.constant 0 : i32
      %dma_start3A_45 = tpu.memref_slice %arg8[%mul3A_33, %dma_start3A_44] : memref<80x128xi32, #tpu.memory_space<vmem>> -> memref<1x128xi32, #tpu.memory_space<vmem>>
      %dma_start3A_46 = tpu.memref_squeeze %dma_start3A_45 : memref<1x128xi32, #tpu.memory_space<vmem>> -> memref<128xi32, #tpu.memory_space<vmem>>
      %dma_start3A_47 = arith.constant 0 : i32
      %dma_start3A_48 = arith.constant 0 : i32
      %dma_start3A_49 = tpu.memref_slice %arg12[%dma_start3A_47, %dma_start3A_48] : memref<10240x32xf32, #tpu.memory_space<vmem_shared>> -> memref<10240x32xf32, #tpu.memory_space<vmem_shared>>
      tpu.enqueue_indirect_dma source(%arg9 : memref<128x32xf32, #tpu.memory_space<vmem>>) target(%dma_start3A_49 : memref<10240x32xf32, #tpu.memory_space<vmem_shared>>) offsets(%dma_start3A_46 : memref<128xi32, #tpu.memory_space<vmem>>) semaphore(%arg15 : memref<!tpu.dma_semaphore, #tpu.memory_space<semaphore_mem>>) {add = true}
      %dma_wait3A_50 = arith.constant 0 : i32
      %dma_wait3A_51 = tpu.memref_slice %arg7[%add3A_37, %dma_wait3A_50] : memref<80x128xi32, #tpu.memory_space<vmem>> -> memref<1x128xi32, #tpu.memory_space<vmem>>
      %dma_wait3A_52 = tpu.memref_squeeze %dma_wait3A_51 : memref<1x128xi32, #tpu.memory_space<vmem>> -> memref<128xi32, #tpu.memory_space<vmem>>
      %dma_wait3A_53 = arith.constant 0 : i32
      %dma_wait3A_54 = arith.constant 0 : i32
      %dma_wait3A_55 = tpu.memref_slice %arg11[%dma_wait3A_53, %dma_wait3A_54] : memref<10240x32xf32, #tpu.memory_space<vmem_shared>> -> memref<10240x32xf32, #tpu.memory_space<vmem_shared>>
      tpu.wait_indirect_dma semaphore(%arg14 : memref<!tpu.dma_semaphore, #tpu.memory_space<semaphore_mem>>) src(%dma_wait3A_55 : memref<10240x32xf32, #tpu.memory_space<vmem_shared>>) dst(%arg10 : memref<128x32xf32, #tpu.memory_space<vmem>>)
      %dma_wait3A_56 = arith.constant 0 : i32
      %dma_wait3A_57 = tpu.memref_slice %arg8[%mul3A_33, %dma_wait3A_56] : memref<80x128xi32, #tpu.memory_space<vmem>> -> memref<1x128xi32, #tpu.memory_space<vmem>>
      %dma_wait3A_58 = tpu.memref_squeeze %dma_wait3A_57 : memref<1x128xi32, #tpu.memory_space<vmem>> -> memref<128xi32, #tpu.memory_space<vmem>>
      %dma_wait3A_59 = arith.constant 0 : i32
      %dma_wait3A_60 = arith.constant 0 : i32
      %dma_wait3A_61 = tpu.memref_slice %arg12[%dma_wait3A_59, %dma_wait3A_60] : memref<10240x32xf32, #tpu.memory_space<vmem_shared>> -> memref<10240x32xf32, #tpu.memory_space<vmem_shared>>
      tpu.wait_indirect_dma semaphore(%arg15 : memref<!tpu.dma_semaphore, #tpu.memory_space<semaphore_mem>>) src(%arg9 : memref<128x32xf32, #tpu.memory_space<vmem>>) dst(%dma_wait3A_61 : memref<10240x32xf32, #tpu.memory_space<vmem_shared>>)
      %add3A_62 = arith.constant 1 : i32
      %add3A_63 = arith.addi %add3A_37, %add3A_62 : i32
      %min3A = arith.constant 79 : i32
      %min3A_64 = arith.minsi %add3A_63, %min3A : i32
      %dma_start3A_65 = arith.constant 0 : i32
      %dma_start3A_66 = tpu.memref_slice %arg7[%min3A_64, %dma_start3A_65] : memref<80x128xi32, #tpu.memory_space<vmem>> -> memref<1x128xi32, #tpu.memory_space<vmem>>
      %dma_start3A_67 = tpu.memref_squeeze %dma_start3A_66 : memref<1x128xi32, #tpu.memory_space<vmem>> -> memref<128xi32, #tpu.memory_space<vmem>>
      %dma_start3A_68 = arith.constant 0 : i32
      %dma_start3A_69 = arith.constant 0 : i32
      %dma_start3A_70 = tpu.memref_slice %arg11[%dma_start3A_68, %dma_start3A_69] : memref<10240x32xf32, #tpu.memory_space<vmem_shared>> -> memref<10240x32xf32, #tpu.memory_space<vmem_shared>>
      tpu.enqueue_indirect_dma source(%dma_start3A_70 : memref<10240x32xf32, #tpu.memory_space<vmem_shared>>) target(%arg9 : memref<128x32xf32, #tpu.memory_space<vmem>>) offsets(%dma_start3A_67 : memref<128xi32, #tpu.memory_space<vmem>>) semaphore(%arg13 : memref<!tpu.dma_semaphore, #tpu.memory_space<semaphore_mem>>)
      %dma_start3A_71 = arith.constant 0 : i32
      %dma_start3A_72 = tpu.memref_slice %arg8[%add3A_37, %dma_start3A_71] : memref<80x128xi32, #tpu.memory_space<vmem>> -> memref<1x128xi32, #tpu.memory_space<vmem>>
      %dma_start3A_73 = tpu.memref_squeeze %dma_start3A_72 : memref<1x128xi32, #tpu.memory_space<vmem>> -> memref<128xi32, #tpu.memory_space<vmem>>
      %dma_start3A_74 = arith.constant 0 : i32
      %dma_start3A_75 = arith.constant 0 : i32
      %dma_start3A_76 = tpu.memref_slice %arg12[%dma_start3A_74, %dma_start3A_75] : memref<10240x32xf32, #tpu.memory_space<vmem_shared>> -> memref<10240x32xf32, #tpu.memory_space<vmem_shared>>
      tpu.enqueue_indirect_dma source(%arg10 : memref<128x32xf32, #tpu.memory_space<vmem>>) target(%dma_start3A_76 : memref<10240x32xf32, #tpu.memory_space<vmem_shared>>) offsets(%dma_start3A_73 : memref<128xi32, #tpu.memory_space<vmem>>) semaphore(%arg16 : memref<!tpu.dma_semaphore, #tpu.memory_space<semaphore_mem>>) {add = true}
      %dma_wait3A_77 = arith.constant 0 : i32
      %dma_wait3A_78 = tpu.memref_slice %arg7[%min3A_64, %dma_wait3A_77] : memref<80x128xi32, #tpu.memory_space<vmem>> -> memref<1x128xi32, #tpu.memory_space<vmem>>
      %dma_wait3A_79 = tpu.memref_squeeze %dma_wait3A_78 : memref<1x128xi32, #tpu.memory_space<vmem>> -> memref<128xi32, #tpu.memory_space<vmem>>
      %dma_wait3A_80 = arith.constant 0 : i32
      %dma_wait3A_81 = arith.constant 0 : i32
      %dma_wait3A_82 = tpu.memref_slice %arg11[%dma_wait3A_80, %dma_wait3A_81] : memref<10240x32xf32, #tpu.memory_space<vmem_shared>> -> memref<10240x32xf32, #tpu.memory_space<vmem_shared>>
      tpu.wait_indirect_dma semaphore(%arg13 : memref<!tpu.dma_semaphore, #tpu.memory_space<semaphore_mem>>) src(%dma_wait3A_82 : memref<10240x32xf32, #tpu.memory_space<vmem_shared>>) dst(%arg9 : memref<128x32xf32, #tpu.memory_space<vmem>>)
      %dma_wait3A_83 = arith.constant 0 : i32
      %dma_wait3A_84 = tpu.memref_slice %arg8[%add3A_37, %dma_wait3A_83] : memref<80x128xi32, #tpu.memory_space<vmem>> -> memref<1x128xi32, #tpu.memory_space<vmem>>
      %dma_wait3A_85 = tpu.memref_squeeze %dma_wait3A_84 : memref<1x128xi32, #tpu.memory_space<vmem>> -> memref<128xi32, #tpu.memory_space<vmem>>
      %dma_wait3A_86 = arith.constant 0 : i32
      %dma_wait3A_87 = arith.constant 0 : i32
      %dma_wait3A_88 = tpu.memref_slice %arg12[%dma_wait3A_86, %dma_wait3A_87] : memref<10240x32xf32, #tpu.memory_space<vmem_shared>> -> memref<10240x32xf32, #tpu.memory_space<vmem_shared>>
      tpu.wait_indirect_dma semaphore(%arg16 : memref<!tpu.dma_semaphore, #tpu.memory_space<semaphore_mem>>) src(%arg10 : memref<128x32xf32, #tpu.memory_space<vmem>>) dst(%dma_wait3A_88 : memref<10240x32xf32, #tpu.memory_space<vmem_shared>>)
    }
    %scan3A_25 = arith.constant 40 : i32
    %barrier3A_26 = arith.constant 0 : index
    tpu.barrier barrier_id(%barrier3A_26)
    %mul3A_27 = arith.constant 640 : i32
    %mul3A_28 = arith.muli %arg1, %mul3A_27 : i32
    %mul3A_29 = arith.constant 640 : i32
    %mul3A_30 = arith.muli %arg1, %mul3A_29 : i32
    "tpu.region"() ({
      %run_scoped3A = tpu.sem_alloc : memref<!tpu.dma_semaphore, #tpu.memory_space<semaphore_mem>>
      %dma_start3A_31 = arith.constant 0 : i32
      %dma_start3A_32 = arith.constant 0 : i32
      %dma_start3A_33 = tpu.memref_slice %arg6[%arg0, %dma_start3A_31, %dma_start3A_32] : memref<2x10240x32xf32, #tpu.memory_space<hbm>> -> memref<1x10240x32xf32, #tpu.memory_space<hbm>>
      %dma_start3A_34 = tpu.memref_squeeze %dma_start3A_33 : memref<1x10240x32xf32, #tpu.memory_space<hbm>> -> memref<10240x32xf32, #tpu.memory_space<hbm>>
      %dma_start3A_35 = arith.constant 0 : i32
      %dma_start3A_36 = tpu.memref_slice %dma_start3A_34[%mul3A_30, %dma_start3A_35] : memref<10240x32xf32, #tpu.memory_space<hbm>> -> memref<640x32xf32, #tpu.memory_space<hbm>>
      %dma_start3A_37 = arith.constant 0 : i32
      %dma_start3A_38 = tpu.memref_slice %arg12[%mul3A_28, %dma_start3A_37] : memref<10240x32xf32, #tpu.memory_space<vmem_shared>> -> memref<640x32xf32, #tpu.memory_space<vmem_shared>>
      tpu.enqueue_dma source(%dma_start3A_38 : memref<640x32xf32, #tpu.memory_space<vmem_shared>>) target(%dma_start3A_36 : memref<640x32xf32, #tpu.memory_space<hbm>>) target_semaphore(%run_scoped3A : memref<!tpu.dma_semaphore, #tpu.memory_space<semaphore_mem>>)
      %dma_wait3A_39 = arith.constant 0 : i32
      %dma_wait3A_40 = arith.constant 0 : i32
      %dma_wait3A_41 = tpu.memref_slice %arg6[%arg0, %dma_wait3A_39, %dma_wait3A_40] : memref<2x10240x32xf32, #tpu.memory_space<hbm>> -> memref<1x10240x32xf32, #tpu.memory_space<hbm>>
      %dma_wait3A_42 = tpu.memref_squeeze %dma_wait3A_41 : memref<1x10240x32xf32, #tpu.memory_space<hbm>> -> memref<10240x32xf32, #tpu.memory_space<hbm>>
      %dma_wait3A_43 = arith.constant 0 : i32
      %dma_wait3A_44 = tpu.memref_slice %dma_wait3A_42[%mul3A_30, %dma_wait3A_43] : memref<10240x32xf32, #tpu.memory_space<hbm>> -> memref<640x32xf32, #tpu.memory_space<hbm>>
      %dma_wait3A_45 = arith.constant 0 : i32
      %dma_wait3A_46 = tpu.memref_slice %arg12[%mul3A_28, %dma_wait3A_45] : memref<10240x32xf32, #tpu.memory_space<vmem_shared>> -> memref<640x32xf32, #tpu.memory_space<vmem_shared>>
      tpu.wait_dma2 semaphore(%run_scoped3A : memref<!tpu.dma_semaphore, #tpu.memory_space<semaphore_mem>>) src(%dma_wait3A_46 : memref<640x32xf32, #tpu.memory_space<vmem_shared>>) dst(%dma_wait3A_44 : memref<640x32xf32, #tpu.memory_space<hbm>>)
      tpu.yield
    }) : () -> ()
    return
  }
}

module attributes {stable_mosaic.version = 14 : i64} {
  func.func @_tc1_body(%arg0: i32, %arg1: memref<2048x128xf32, #tpu.memory_space<vmem>>, %arg2: memref<128x64xf32, #tpu.memory_space<vmem>>, %arg3: memref<1x64xf32, #tpu.memory_space<vmem>>, %arg4: memref<2048x64xf32, #tpu.memory_space<vmem>>) attributes {dimension_semantics = [#tpu.dimension_semantics<arbitrary>], iteration_bounds = array<i64: 5>, scalar_prefetch = 0 : i64, scratch_operands = 0 : i64, tpu.core_type = #tpu.core_type<tc>, window_params = [{transform_indices = @transform_0, window_bounds = array<i64: 2048, 128>}, {pipeline_mode = #tpu.pipeline_mode<synchronous>, transform_indices = @transform_1, window_bounds = array<i64: 128, 64>}, {pipeline_mode = #tpu.pipeline_mode<synchronous>, transform_indices = @transform_2, window_bounds = array<i64: 1, 64>}, {transform_indices = @transform_3, window_bounds = array<i64: 2048, 64>}]} {
    %get3A = arith.constant 0 : index
    %get3A_0 = arith.constant 0 : index
    %get3A_1 = vector.load %arg1[%get3A, %get3A_0] : memref<2048x128xf32, #tpu.memory_space<vmem>>, vector<2048x128xf32>
    %get3A_2 = arith.constant 0 : index
    %get3A_3 = arith.constant 0 : index
    %get3A_4 = vector.load %arg2[%get3A_2, %get3A_3] : memref<128x64xf32, #tpu.memory_space<vmem>>, vector<128x64xf32>
    %dot_general3A = arith.constant dense<0.000000e+00> : vector<2048x64xf32>
    %dot_general3A_5 = tpu.matmul %get3A_1, %get3A_4, %dot_general3A {dimension_numbers = #tpu.dot_dimension_numbers<[1], [0], [0], [1], [0, 0, 1, 1], [], []>, transpose_lhs_hint = false} : vector<2048x128xf32>, vector<128x64xf32>, vector<2048x64xf32> -> vector<2048x64xf32>
    %get3A_6 = arith.constant 0 : index
    %get3A_7 = arith.constant 0 : index
    %get3A_8 = vector.load %arg3[%get3A_6, %get3A_7] : memref<1x64xf32, #tpu.memory_space<vmem>>, vector<1x64xf32>
    %add3A = vector.broadcast %get3A_8 : vector<1x64xf32> to vector<2048x64xf32>
    %add3A_9 = arith.addf %dot_general3A_5, %add3A : vector<2048x64xf32>
    %mul3A = arith.constant 5.000000e-01 : f32
    %mul3A_10 = vector.broadcast %mul3A : f32 to vector<2048x64xf32>
    %mul3A_11 = arith.mulf %mul3A_10, %add3A_9 : vector<2048x64xf32>
    %mul3A_12 = arith.constant 0.707106769 : f32
    %mul3A_13 = vector.broadcast %mul3A_12 : f32 to vector<2048x64xf32>
    %mul3A_14 = arith.mulf %add3A_9, %mul3A_13 : vector<2048x64xf32>
    %erf3A = math.erf %mul3A_14 : vector<2048x64xf32>
    %add3A_15 = arith.constant 1.000000e+00 : f32
    %add3A_16 = vector.broadcast %add3A_15 : f32 to vector<2048x64xf32>
    %add3A_17 = arith.addf %add3A_16, %erf3A : vector<2048x64xf32>
    %mul3A_18 = arith.mulf %mul3A_11, %add3A_17 : vector<2048x64xf32>
    %swap3A = arith.constant 0 : index
    %swap3A_19 = arith.constant 0 : index
    %swap3A_20 = vector.load %arg4[%swap3A, %swap3A_19] : memref<2048x64xf32, #tpu.memory_space<vmem>>, vector<2048x64xf32>
    tpu.vector_store %arg4[%swap3A, %swap3A_19], %mul3A_18 {strides = array<i32>} : memref<2048x64xf32, #tpu.memory_space<vmem>>, vector<2048x64xf32>,
    return
  }
  func.func @transform_0(%arg0: i32) -> (i32, i32) {
    %c0_i32 = arith.constant 0 : i32
    %c0_i32_0 = arith.constant 0 : i32
    return %arg0, %c0_i32 : i32, i32
  }
  func.func @transform_1(%arg0: i32) -> (i32, i32) {
    %c0_i32 = arith.constant 0 : i32
    %c0_i32_0 = arith.constant 0 : i32
    %c0_i32_1 = arith.constant 0 : i32
    return %c0_i32, %c0_i32_0 : i32, i32
  }
  func.func @transform_2(%arg0: i32) -> (i32, i32) {
    %c0_i32 = arith.constant 0 : i32
    %c0_i32_0 = arith.constant 0 : i32
    %c0_i32_1 = arith.constant 0 : i32
    return %c0_i32, %c0_i32_0 : i32, i32
  }
  func.func @transform_3(%arg0: i32) -> (i32, i32) {
    %c0_i32 = arith.constant 0 : i32
    %c0_i32_0 = arith.constant 0 : i32
    return %arg0, %c0_i32 : i32, i32
  }
}

module attributes {stable_mosaic.version = 14 : i64} {
  func.func @_tc2_body(%arg0: i32, %arg1: memref<2048x128xf32, #tpu.memory_space<vmem>>, %arg2: memref<1x2048x64xf32, #tpu.memory_space<vmem>>, %arg3: memref<1x2048x64xf32, #tpu.memory_space<vmem>>, %arg4: memref<1x2048x1xf32, #tpu.memory_space<vmem>>, %arg5: memref<1x2048x1xf32, #tpu.memory_space<vmem>>, %arg6: memref<128x64xf32, #tpu.memory_space<vmem>>, %arg7: memref<64x64xf32, #tpu.memory_space<vmem>>, %arg8: memref<1x64xf32, #tpu.memory_space<vmem>>, %arg9: memref<64x32xf32, #tpu.memory_space<vmem>>, %arg10: memref<1x32xf32, #tpu.memory_space<vmem>>, %arg11: memref<2048x64xf32, #tpu.memory_space<vmem>>, %arg12: memref<2048x32xf32, #tpu.memory_space<vmem>>) attributes {dimension_semantics = [#tpu.dimension_semantics<arbitrary>], iteration_bounds = array<i64: 5>, scalar_prefetch = 0 : i64, scratch_operands = 0 : i64, tpu.core_type = #tpu.core_type<tc>, window_params = [{transform_indices = @transform_0, window_bounds = array<i64: 2048, 128>}, {transform_indices = @transform_1, window_bounds = array<i64: 1, 2048, 64>}, {transform_indices = @transform_2, window_bounds = array<i64: 1, 2048, 64>}, {transform_indices = @transform_3, window_bounds = array<i64: 1, 2048, 1>}, {transform_indices = @transform_4, window_bounds = array<i64: 1, 2048, 1>}, {pipeline_mode = #tpu.pipeline_mode<synchronous>, transform_indices = @transform_5, window_bounds = array<i64: 128, 64>}, {pipeline_mode = #tpu.pipeline_mode<synchronous>, transform_indices = @transform_6, window_bounds = array<i64: 64, 64>}, {pipeline_mode = #tpu.pipeline_mode<synchronous>, transform_indices = @transform_7, window_bounds = array<i64: 1, 64>}, {pipeline_mode = #tpu.pipeline_mode<synchronous>, transform_indices = @transform_8, window_bounds = array<i64: 64, 32>}, {pipeline_mode = #tpu.pipeline_mode<synchronous>, transform_indices = @transform_9, window_bounds = array<i64: 1, 32>}, {transform_indices = @transform_10, window_bounds = array<i64: 2048, 64>}, {transform_indices = @transform_11, window_bounds = array<i64: 2048, 32>}]} {
    %get3A = arith.constant 0 : index
    %get3A_0 = arith.constant 0 : index
    %get3A_1 = arith.constant 0 : index
    %get3A_2 = vector.load %arg2[%get3A, %get3A_0, %get3A_1] : memref<1x2048x64xf32, #tpu.memory_space<vmem>>, vector<1x2048x64xf32>
    %get3A_3 = vector.shape_cast %get3A_2 : vector<1x2048x64xf32> to vector<2048x64xf32>
    %get3A_4 = arith.constant 0 : index
    %get3A_5 = arith.constant 0 : index
    %get3A_6 = arith.constant 0 : index
    %get3A_7 = vector.load %arg3[%get3A_4, %get3A_5, %get3A_6] : memref<1x2048x64xf32, #tpu.memory_space<vmem>>, vector<1x2048x64xf32>
    %get3A_8 = vector.shape_cast %get3A_7 : vector<1x2048x64xf32> to vector<2048x64xf32>
    %add3A = arith.addf %get3A_3, %get3A_8 : vector<2048x64xf32>
    %get3A_9 = arith.constant 0 : index
    %get3A_10 = arith.constant 0 : index
    %get3A_11 = arith.constant 0 : index
    %get3A_12 = vector.load %arg4[%get3A_9, %get3A_10, %get3A_11] : memref<1x2048x1xf32, #tpu.memory_space<vmem>>, vector<1x2048x1xf32>
    %get3A_13 = vector.shape_cast %get3A_12 : vector<1x2048x1xf32> to vector<2048x1xf32>
    %get3A_14 = arith.constant 0 : index
    %get3A_15 = arith.constant 0 : index
    %get3A_16 = arith.constant 0 : index
    %get3A_17 = vector.load %arg5[%get3A_14, %get3A_15, %get3A_16] : memref<1x2048x1xf32, #tpu.memory_space<vmem>>, vector<1x2048x1xf32>
    %get3A_18 = vector.shape_cast %get3A_17 : vector<1x2048x1xf32> to vector<2048x1xf32>
    %add3A_19 = arith.addf %get3A_13, %get3A_18 : vector<2048x1xf32>
    %max3A = arith.constant 1.000000e+00 : f32
    %max3A_20 = vector.broadcast %max3A : f32 to vector<2048x1xf32>
    %max3A_21 = arith.maximumf %add3A_19, %max3A_20 : vector<2048x1xf32>
    %div3A = vector.broadcast %max3A_21 : vector<2048x1xf32> to vector<2048x64xf32>
    %div3A_22 = arith.divf %add3A, %div3A : vector<2048x64xf32>
    %get3A_23 = arith.constant 0 : index
    %get3A_24 = arith.constant 0 : index
    %get3A_25 = vector.load %arg1[%get3A_23, %get3A_24] : memref<2048x128xf32, #tpu.memory_space<vmem>>, vector<2048x128xf32>
    %get3A_26 = arith.constant 0 : index
    %get3A_27 = arith.constant 0 : index
    %get3A_28 = vector.load %arg6[%get3A_26, %get3A_27] : memref<128x64xf32, #tpu.memory_space<vmem>>, vector<128x64xf32>
    %dot_general3A = arith.constant dense<0.000000e+00> : vector<2048x64xf32>
    %dot_general3A_29 = tpu.matmul %get3A_25, %get3A_28, %dot_general3A {dimension_numbers = #tpu.dot_dimension_numbers<[1], [0], [0], [1], [0, 0, 1, 1], [], []>, transpose_lhs_hint = false} : vector<2048x128xf32>, vector<128x64xf32>, vector<2048x64xf32> -> vector<2048x64xf32>
    %get3A_30 = arith.constant 0 : index
    %get3A_31 = arith.constant 0 : index
    %get3A_32 = vector.load %arg7[%get3A_30, %get3A_31] : memref<64x64xf32, #tpu.memory_space<vmem>>, vector<64x64xf32>
    %dot_general3A_33 = arith.constant dense<0.000000e+00> : vector<2048x64xf32>
    %dot_general3A_34 = tpu.matmul %div3A_22, %get3A_32, %dot_general3A_33 {dimension_numbers = #tpu.dot_dimension_numbers<[1], [0], [0], [1], [0, 0, 1, 1], [], []>, transpose_lhs_hint = false} : vector<2048x64xf32>, vector<64x64xf32>, vector<2048x64xf32> -> vector<2048x64xf32>
    %add3A_35 = arith.addf %dot_general3A_29, %dot_general3A_34 : vector<2048x64xf32>
    %get3A_36 = arith.constant 0 : index
    %get3A_37 = arith.constant 0 : index
    %get3A_38 = vector.load %arg8[%get3A_36, %get3A_37] : memref<1x64xf32, #tpu.memory_space<vmem>>, vector<1x64xf32>
    %add3A_39 = vector.broadcast %get3A_38 : vector<1x64xf32> to vector<2048x64xf32>
    %add3A_40 = arith.addf %add3A_35, %add3A_39 : vector<2048x64xf32>
    %mul3A = arith.constant 5.000000e-01 : f32
    %mul3A_41 = vector.broadcast %mul3A : f32 to vector<2048x64xf32>
    %mul3A_42 = arith.mulf %mul3A_41, %add3A_40 : vector<2048x64xf32>
    %mul3A_43 = arith.constant 0.707106769 : f32
    %mul3A_44 = vector.broadcast %mul3A_43 : f32 to vector<2048x64xf32>
    %mul3A_45 = arith.mulf %add3A_40, %mul3A_44 : vector<2048x64xf32>
    %erf3A = math.erf %mul3A_45 : vector<2048x64xf32>
    %add3A_46 = arith.constant 1.000000e+00 : f32
    %add3A_47 = vector.broadcast %add3A_46 : f32 to vector<2048x64xf32>
    %add3A_48 = arith.addf %add3A_47, %erf3A : vector<2048x64xf32>
    %mul3A_49 = arith.mulf %mul3A_42, %add3A_48 : vector<2048x64xf32>
    %swap3A = arith.constant 0 : index
    %swap3A_50 = arith.constant 0 : index
    %swap3A_51 = vector.load %arg11[%swap3A, %swap3A_50] : memref<2048x64xf32, #tpu.memory_space<vmem>>, vector<2048x64xf32>
    tpu.vector_store %arg11[%swap3A, %swap3A_50], %mul3A_49 {strides = array<i32>} : memref<2048x64xf32, #tpu.memory_space<vmem>>, vector<2048x64xf32>,
    %get3A_52 = arith.constant 0 : index
    %get3A_53 = arith.constant 0 : index
    %get3A_54 = vector.load %arg9[%get3A_52, %get3A_53] : memref<64x32xf32, #tpu.memory_space<vmem>>, vector<64x32xf32>
    %dot_general3A_55 = arith.constant dense<0.000000e+00> : vector<2048x32xf32>
    %dot_general3A_56 = tpu.matmul %mul3A_49, %get3A_54, %dot_general3A_55 {dimension_numbers = #tpu.dot_dimension_numbers<[1], [0], [0], [1], [0, 0, 1, 1], [], []>, transpose_lhs_hint = false} : vector<2048x64xf32>, vector<64x32xf32>, vector<2048x32xf32> -> vector<2048x32xf32>
    %get3A_57 = arith.constant 0 : index
    %get3A_58 = arith.constant 0 : index
    %get3A_59 = vector.load %arg10[%get3A_57, %get3A_58] : memref<1x32xf32, #tpu.memory_space<vmem>>, vector<1x32xf32>
    %add3A_60 = vector.broadcast %get3A_59 : vector<1x32xf32> to vector<2048x32xf32>
    %add3A_61 = arith.addf %dot_general3A_56, %add3A_60 : vector<2048x32xf32>
    %mul3A_62 = arith.constant 5.000000e-01 : f32
    %mul3A_63 = vector.broadcast %mul3A_62 : f32 to vector<2048x32xf32>
    %mul3A_64 = arith.mulf %mul3A_63, %add3A_61 : vector<2048x32xf32>
    %mul3A_65 = arith.constant 0.707106769 : f32
    %mul3A_66 = vector.broadcast %mul3A_65 : f32 to vector<2048x32xf32>
    %mul3A_67 = arith.mulf %add3A_61, %mul3A_66 : vector<2048x32xf32>
    %erf3A_68 = math.erf %mul3A_67 : vector<2048x32xf32>
    %add3A_69 = arith.constant 1.000000e+00 : f32
    %add3A_70 = vector.broadcast %add3A_69 : f32 to vector<2048x32xf32>
    %add3A_71 = arith.addf %add3A_70, %erf3A_68 : vector<2048x32xf32>
    %mul3A_72 = arith.mulf %mul3A_64, %add3A_71 : vector<2048x32xf32>
    %swap3A_73 = arith.constant 0 : index
    %swap3A_74 = arith.constant 0 : index
    %swap3A_75 = vector.load %arg12[%swap3A_73, %swap3A_74] : memref<2048x32xf32, #tpu.memory_space<vmem>>, vector<2048x32xf32>
    tpu.vector_store %arg12[%swap3A_73, %swap3A_74], %mul3A_72 {strides = array<i32>} : memref<2048x32xf32, #tpu.memory_space<vmem>>, vector<2048x32xf32>,
    return
  }
  func.func @transform_0(%arg0: i32) -> (i32, i32) {
    %c0_i32 = arith.constant 0 : i32
    %c0_i32_0 = arith.constant 0 : i32
    return %arg0, %c0_i32 : i32, i32
  }
  func.func @transform_1(%arg0: i32) -> (i32, i32, i32) {
    %c0_i32 = arith.constant 0 : i32
    %c0_i32_0 = arith.constant 0 : i32
    %c0_i32_1 = arith.constant 0 : i32
    return %c0_i32, %arg0, %c0_i32_0 : i32, i32, i32
  }
  func.func @transform_2(%arg0: i32) -> (i32, i32, i32) {
    %c1_i32 = arith.constant 1 : i32
    %c0_i32 = arith.constant 0 : i32
    %c0_i32_0 = arith.constant 0 : i32
    return %c1_i32, %arg0, %c0_i32 : i32, i32, i32
  }
  func.func @transform_3(%arg0: i32) -> (i32, i32, i32) {
    %c0_i32 = arith.constant 0 : i32
    %c0_i32_0 = arith.constant 0 : i32
    %c0_i32_1 = arith.constant 0 : i32
    return %c0_i32, %arg0, %c0_i32_0 : i32, i32, i32
  }
  func.func @transform_4(%arg0: i32) -> (i32, i32, i32) {
    %c1_i32 = arith.constant 1 : i32
    %c0_i32 = arith.constant 0 : i32
    %c0_i32_0 = arith.constant 0 : i32
    return %c1_i32, %arg0, %c0_i32 : i32, i32, i32
  }
  func.func @transform_5(%arg0: i32) -> (i32, i32) {
    %c0_i32 = arith.constant 0 : i32
    %c0_i32_0 = arith.constant 0 : i32
    %c0_i32_1 = arith.constant 0 : i32
    return %c0_i32, %c0_i32_0 : i32, i32
  }
  func.func @transform_6(%arg0: i32) -> (i32, i32) {
    %c0_i32 = arith.constant 0 : i32
    %c0_i32_0 = arith.constant 0 : i32
    %c0_i32_1 = arith.constant 0 : i32
    return %c0_i32, %c0_i32_0 : i32, i32
  }
  func.func @transform_7(%arg0: i32) -> (i32, i32) {
    %c0_i32 = arith.constant 0 : i32
    %c0_i32_0 = arith.constant 0 : i32
    %c0_i32_1 = arith.constant 0 : i32
    return %c0_i32, %c0_i32_0 : i32, i32
  }
  func.func @transform_8(%arg0: i32) -> (i32, i32) {
    %c0_i32 = arith.constant 0 : i32
    %c0_i32_0 = arith.constant 0 : i32
    %c0_i32_1 = arith.constant 0 : i32
    return %c0_i32, %c0_i32_0 : i32, i32
  }
  func.func @transform_9(%arg0: i32) -> (i32, i32) {
    %c0_i32 = arith.constant 0 : i32
    %c0_i32_0 = arith.constant 0 : i32
    %c0_i32_1 = arith.constant 0 : i32
    return %c0_i32, %c0_i32_0 : i32, i32
  }
  func.func @transform_10(%arg0: i32) -> (i32, i32) {
    %c0_i32 = arith.constant 0 : i32
    %c0_i32_0 = arith.constant 0 : i32
    return %arg0, %c0_i32 : i32, i32
  }
  func.func @transform_11(%arg0: i32) -> (i32, i32) {
    %c0_i32 = arith.constant 0 : i32
    %c0_i32_0 = arith.constant 0 : i32
    return %arg0, %c0_i32 : i32, i32
  }
}

module attributes {stable_mosaic.version = 14 : i64} {
  func.func @_tc3_body(%arg0: i32, %arg1: memref<2048x64xf32, #tpu.memory_space<vmem>>, %arg2: memref<1x2048x32xf32, #tpu.memory_space<vmem>>, %arg3: memref<1x2048x32xf32, #tpu.memory_space<vmem>>, %arg4: memref<1x2048x1xf32, #tpu.memory_space<vmem>>, %arg5: memref<1x2048x1xf32, #tpu.memory_space<vmem>>, %arg6: memref<64x32xf32, #tpu.memory_space<vmem>>, %arg7: memref<32x32xf32, #tpu.memory_space<vmem>>, %arg8: memref<1x32xf32, #tpu.memory_space<vmem>>, %arg9: memref<32x128xf32, #tpu.memory_space<vmem>>, %arg10: memref<1x128xf32, #tpu.memory_space<vmem>>, %arg11: memref<1x128xf32, #tpu.memory_space<vmem>>, %arg12: memref<1x1xf32, #tpu.memory_space<vmem>>, %arg13: memref<2048x1xf32, #tpu.memory_space<vmem>>) attributes {dimension_semantics = [#tpu.dimension_semantics<arbitrary>], iteration_bounds = array<i64: 5>, scalar_prefetch = 0 : i64, scratch_operands = 0 : i64, tpu.core_type = #tpu.core_type<tc>, window_params = [{transform_indices = @transform_0, window_bounds = array<i64: 2048, 64>}, {transform_indices = @transform_1, window_bounds = array<i64: 1, 2048, 32>}, {transform_indices = @transform_2, window_bounds = array<i64: 1, 2048, 32>}, {transform_indices = @transform_3, window_bounds = array<i64: 1, 2048, 1>}, {transform_indices = @transform_4, window_bounds = array<i64: 1, 2048, 1>}, {pipeline_mode = #tpu.pipeline_mode<synchronous>, transform_indices = @transform_5, window_bounds = array<i64: 64, 32>}, {pipeline_mode = #tpu.pipeline_mode<synchronous>, transform_indices = @transform_6, window_bounds = array<i64: 32, 32>}, {pipeline_mode = #tpu.pipeline_mode<synchronous>, transform_indices = @transform_7, window_bounds = array<i64: 1, 32>}, {pipeline_mode = #tpu.pipeline_mode<synchronous>, transform_indices = @transform_8, window_bounds = array<i64: 32, 128>}, {pipeline_mode = #tpu.pipeline_mode<synchronous>, transform_indices = @transform_9, window_bounds = array<i64: 1, 128>}, {pipeline_mode = #tpu.pipeline_mode<synchronous>, transform_indices = @transform_10, window_bounds = array<i64: 1, 128>}, {pipeline_mode = #tpu.pipeline_mode<synchronous>, transform_indices = @transform_11, window_bounds = array<i64: 1, 1>}, {transform_indices = @transform_12, window_bounds = array<i64: 2048, 1>}]} {
    %get3A = arith.constant 0 : index
    %get3A_0 = arith.constant 0 : index
    %get3A_1 = arith.constant 0 : index
    %get3A_2 = vector.load %arg2[%get3A, %get3A_0, %get3A_1] : memref<1x2048x32xf32, #tpu.memory_space<vmem>>, vector<1x2048x32xf32>
    %get3A_3 = vector.shape_cast %get3A_2 : vector<1x2048x32xf32> to vector<2048x32xf32>
    %get3A_4 = arith.constant 0 : index
    %get3A_5 = arith.constant 0 : index
    %get3A_6 = arith.constant 0 : index
    %get3A_7 = vector.load %arg3[%get3A_4, %get3A_5, %get3A_6] : memref<1x2048x32xf32, #tpu.memory_space<vmem>>, vector<1x2048x32xf32>
    %get3A_8 = vector.shape_cast %get3A_7 : vector<1x2048x32xf32> to vector<2048x32xf32>
    %add3A = arith.addf %get3A_3, %get3A_8 : vector<2048x32xf32>
    %get3A_9 = arith.constant 0 : index
    %get3A_10 = arith.constant 0 : index
    %get3A_11 = arith.constant 0 : index
    %get3A_12 = vector.load %arg4[%get3A_9, %get3A_10, %get3A_11] : memref<1x2048x1xf32, #tpu.memory_space<vmem>>, vector<1x2048x1xf32>
    %get3A_13 = vector.shape_cast %get3A_12 : vector<1x2048x1xf32> to vector<2048x1xf32>
    %get3A_14 = arith.constant 0 : index
    %get3A_15 = arith.constant 0 : index
    %get3A_16 = arith.constant 0 : index
    %get3A_17 = vector.load %arg5[%get3A_14, %get3A_15, %get3A_16] : memref<1x2048x1xf32, #tpu.memory_space<vmem>>, vector<1x2048x1xf32>
    %get3A_18 = vector.shape_cast %get3A_17 : vector<1x2048x1xf32> to vector<2048x1xf32>
    %add3A_19 = arith.addf %get3A_13, %get3A_18 : vector<2048x1xf32>
    %max3A = arith.constant 1.000000e+00 : f32
    %max3A_20 = vector.broadcast %max3A : f32 to vector<2048x1xf32>
    %max3A_21 = arith.maximumf %add3A_19, %max3A_20 : vector<2048x1xf32>
    %div3A = vector.broadcast %max3A_21 : vector<2048x1xf32> to vector<2048x32xf32>
    %div3A_22 = arith.divf %add3A, %div3A : vector<2048x32xf32>
    %get3A_23 = arith.constant 0 : index
    %get3A_24 = arith.constant 0 : index
    %get3A_25 = vector.load %arg1[%get3A_23, %get3A_24] : memref<2048x64xf32, #tpu.memory_space<vmem>>, vector<2048x64xf32>
    %get3A_26 = arith.constant 0 : index
    %get3A_27 = arith.constant 0 : index
    %get3A_28 = vector.load %arg6[%get3A_26, %get3A_27] : memref<64x32xf32, #tpu.memory_space<vmem>>, vector<64x32xf32>
    %dot_general3A = arith.constant dense<0.000000e+00> : vector<2048x32xf32>
    %dot_general3A_29 = tpu.matmul %get3A_25, %get3A_28, %dot_general3A {dimension_numbers = #tpu.dot_dimension_numbers<[1], [0], [0], [1], [0, 0, 1, 1], [], []>, transpose_lhs_hint = false} : vector<2048x64xf32>, vector<64x32xf32>, vector<2048x32xf32> -> vector<2048x32xf32>
    %get3A_30 = arith.constant 0 : index
    %get3A_31 = arith.constant 0 : index
    %get3A_32 = vector.load %arg7[%get3A_30, %get3A_31] : memref<32x32xf32, #tpu.memory_space<vmem>>, vector<32x32xf32>
    %dot_general3A_33 = arith.constant dense<0.000000e+00> : vector<2048x32xf32>
    %dot_general3A_34 = tpu.matmul %div3A_22, %get3A_32, %dot_general3A_33 {dimension_numbers = #tpu.dot_dimension_numbers<[1], [0], [0], [1], [0, 0, 1, 1], [], []>, transpose_lhs_hint = false} : vector<2048x32xf32>, vector<32x32xf32>, vector<2048x32xf32> -> vector<2048x32xf32>
    %add3A_35 = arith.addf %dot_general3A_29, %dot_general3A_34 : vector<2048x32xf32>
    %get3A_36 = arith.constant 0 : index
    %get3A_37 = arith.constant 0 : index
    %get3A_38 = vector.load %arg8[%get3A_36, %get3A_37] : memref<1x32xf32, #tpu.memory_space<vmem>>, vector<1x32xf32>
    %add3A_39 = vector.broadcast %get3A_38 : vector<1x32xf32> to vector<2048x32xf32>
    %add3A_40 = arith.addf %add3A_35, %add3A_39 : vector<2048x32xf32>
    %mul3A = arith.constant 5.000000e-01 : f32
    %mul3A_41 = vector.broadcast %mul3A : f32 to vector<2048x32xf32>
    %mul3A_42 = arith.mulf %mul3A_41, %add3A_40 : vector<2048x32xf32>
    %mul3A_43 = arith.constant 0.707106769 : f32
    %mul3A_44 = vector.broadcast %mul3A_43 : f32 to vector<2048x32xf32>
    %mul3A_45 = arith.mulf %add3A_40, %mul3A_44 : vector<2048x32xf32>
    %erf3A = math.erf %mul3A_45 : vector<2048x32xf32>
    %add3A_46 = arith.constant 1.000000e+00 : f32
    %add3A_47 = vector.broadcast %add3A_46 : f32 to vector<2048x32xf32>
    %add3A_48 = arith.addf %add3A_47, %erf3A : vector<2048x32xf32>
    %mul3A_49 = arith.mulf %mul3A_42, %add3A_48 : vector<2048x32xf32>
    %get3A_50 = arith.constant 0 : index
    %get3A_51 = arith.constant 0 : index
    %get3A_52 = vector.load %arg9[%get3A_50, %get3A_51] : memref<32x128xf32, #tpu.memory_space<vmem>>, vector<32x128xf32>
    %dot_general3A_53 = arith.constant dense<0.000000e+00> : vector<2048x128xf32>
    %dot_general3A_54 = tpu.matmul %mul3A_49, %get3A_52, %dot_general3A_53 {dimension_numbers = #tpu.dot_dimension_numbers<[1], [0], [0], [1], [0, 0, 1, 1], [], []>, transpose_lhs_hint = false} : vector<2048x32xf32>, vector<32x128xf32>, vector<2048x128xf32> -> vector<2048x128xf32>
    %get3A_55 = arith.constant 0 : index
    %get3A_56 = arith.constant 0 : index
    %get3A_57 = vector.load %arg10[%get3A_55, %get3A_56] : memref<1x128xf32, #tpu.memory_space<vmem>>, vector<1x128xf32>
    %add3A_58 = vector.broadcast %get3A_57 : vector<1x128xf32> to vector<2048x128xf32>
    %add3A_59 = arith.addf %dot_general3A_54, %add3A_58 : vector<2048x128xf32>
    %max3A_60 = arith.constant 0.000000e+00 : f32
    %max3A_61 = vector.broadcast %max3A_60 : f32 to vector<2048x128xf32>
    %max3A_62 = arith.maximumf %add3A_59, %max3A_61 : vector<2048x128xf32>
    %get3A_63 = arith.constant 0 : index
    %get3A_64 = arith.constant 0 : index
    %get3A_65 = vector.load %arg11[%get3A_63, %get3A_64] : memref<1x128xf32, #tpu.memory_space<vmem>>, vector<1x128xf32>
    %mul3A_66 = vector.broadcast %get3A_65 : vector<1x128xf32> to vector<2048x128xf32>
    %mul3A_67 = arith.mulf %max3A_62, %mul3A_66 : vector<2048x128xf32>
    %reduce_sum3A = arith.constant dense<0.000000e+00> : vector<2048xf32>
    %reduce_sum3A_68 = vector.multi_reduction <add>, %mul3A_67, %reduce_sum3A [1] : vector<2048x128xf32> to vector<2048xf32>
    %broadcast_in_dim3A = vector.shape_cast %reduce_sum3A_68 : vector<2048xf32> to vector<2048x1xf32>
    %get3A_69 = arith.constant 0 : index
    %get3A_70 = arith.constant 0 : index
    %get3A_71 = vector.load %arg12[%get3A_69, %get3A_70] : memref<1x1xf32, #tpu.memory_space<vmem>>, vector<1x1xf32>
    %add3A_72 = vector.broadcast %get3A_71 : vector<1x1xf32> to vector<2048x1xf32>
    %add3A_73 = arith.addf %broadcast_in_dim3A, %add3A_72 : vector<2048x1xf32>
    %logistic3A = arith.negf %add3A_73 : vector<2048x1xf32>
    %logistic3A_74 = math.exp %logistic3A : vector<2048x1xf32>
    %logistic3A_75 = arith.constant 1.000000e+00 : f32
    %logistic3A_76 = vector.broadcast %logistic3A_75 : f32 to vector<2048x1xf32>
    %logistic3A_77 = arith.addf %logistic3A_76, %logistic3A_74 : vector<2048x1xf32>
    %logistic3A_78 = arith.divf %logistic3A_76, %logistic3A_77 : vector<2048x1xf32>
    %swap3A = arith.constant 0 : index
    %swap3A_79 = arith.constant 0 : index
    %swap3A_80 = vector.load %arg13[%swap3A, %swap3A_79] : memref<2048x1xf32, #tpu.memory_space<vmem>>, vector<2048x1xf32>
    tpu.vector_store %arg13[%swap3A, %swap3A_79], %logistic3A_78 {strides = array<i32>} : memref<2048x1xf32, #tpu.memory_space<vmem>>, vector<2048x1xf32>,
    return
  }
  func.func @transform_0(%arg0: i32) -> (i32, i32) {
    %c0_i32 = arith.constant 0 : i32
    %c0_i32_0 = arith.constant 0 : i32
    return %arg0, %c0_i32 : i32, i32
  }
  func.func @transform_1(%arg0: i32) -> (i32, i32, i32) {
    %c0_i32 = arith.constant 0 : i32
    %c0_i32_0 = arith.constant 0 : i32
    %c0_i32_1 = arith.constant 0 : i32
    return %c0_i32, %arg0, %c0_i32_0 : i32, i32, i32
  }
  func.func @transform_2(%arg0: i32) -> (i32, i32, i32) {
    %c1_i32 = arith.constant 1 : i32
    %c0_i32 = arith.constant 0 : i32
    %c0_i32_0 = arith.constant 0 : i32
    return %c1_i32, %arg0, %c0_i32 : i32, i32, i32
  }
  func.func @transform_3(%arg0: i32) -> (i32, i32, i32) {
    %c0_i32 = arith.constant 0 : i32
    %c0_i32_0 = arith.constant 0 : i32
    %c0_i32_1 = arith.constant 0 : i32
    return %c0_i32, %arg0, %c0_i32_0 : i32, i32, i32
  }
  func.func @transform_4(%arg0: i32) -> (i32, i32, i32) {
    %c1_i32 = arith.constant 1 : i32
    %c0_i32 = arith.constant 0 : i32
    %c0_i32_0 = arith.constant 0 : i32
    return %c1_i32, %arg0, %c0_i32 : i32, i32, i32
  }
  func.func @transform_5(%arg0: i32) -> (i32, i32) {
    %c0_i32 = arith.constant 0 : i32
    %c0_i32_0 = arith.constant 0 : i32
    %c0_i32_1 = arith.constant 0 : i32
    return %c0_i32, %c0_i32_0 : i32, i32
  }
  func.func @transform_6(%arg0: i32) -> (i32, i32) {
    %c0_i32 = arith.constant 0 : i32
    %c0_i32_0 = arith.constant 0 : i32
    %c0_i32_1 = arith.constant 0 : i32
    return %c0_i32, %c0_i32_0 : i32, i32
  }
  func.func @transform_7(%arg0: i32) -> (i32, i32) {
    %c0_i32 = arith.constant 0 : i32
    %c0_i32_0 = arith.constant 0 : i32
    %c0_i32_1 = arith.constant 0 : i32
    return %c0_i32, %c0_i32_0 : i32, i32
  }
  func.func @transform_8(%arg0: i32) -> (i32, i32) {
    %c0_i32 = arith.constant 0 : i32
    %c0_i32_0 = arith.constant 0 : i32
    %c0_i32_1 = arith.constant 0 : i32
    return %c0_i32, %c0_i32_0 : i32, i32
  }
  func.func @transform_9(%arg0: i32) -> (i32, i32) {
    %c0_i32 = arith.constant 0 : i32
    %c0_i32_0 = arith.constant 0 : i32
    %c0_i32_1 = arith.constant 0 : i32
    return %c0_i32, %c0_i32_0 : i32, i32
  }
  func.func @transform_10(%arg0: i32) -> (i32, i32) {
    %c0_i32 = arith.constant 0 : i32
    %c0_i32_0 = arith.constant 0 : i32
    %c0_i32_1 = arith.constant 0 : i32
    return %c0_i32, %c0_i32_0 : i32, i32
  }
  func.func @transform_11(%arg0: i32) -> (i32, i32) {
    %c0_i32 = arith.constant 0 : i32
    %c0_i32_0 = arith.constant 0 : i32
    %c0_i32_1 = arith.constant 0 : i32
    return %c0_i32, %c0_i32_0 : i32, i32
  }
  func.func @transform_12(%arg0: i32) -> (i32, i32) {
    %c0_i32 = arith.constant 0 : i32
    %c0_i32_0 = arith.constant 0 : i32
    return %arg0, %c0_i32 : i32, i32
  }
}

</mosaic_0001>

<sc_bundles>
// kernel: kernel.10.cloned.1.call-start
scs
__scs_entry_jumppad:
0x0: {  	(pc) =	sbr.rel $0x88, $3  }
0x1: {  	(tag) =	ssettag $0x0;
	lr =	simm.s32 $0x1  }
0x2: {  	[smem:$0x3F83] =	sst lr;
	_ =	strace $0xD0000000  }
0x3: {  	_ = 	snop  }
0x4: {  	_ = 	snop  }
0x5: {  	_ = 	snop  }
0x6: {  	_ = 	snop  }
0x7: {  	_ = 	snop  }
__scs_overlays_trampoline_lowered:
0x8: {  	[smem:$0x3F92] =	sst s0  }
0x9: {  	[smem:$0x3F93] =	sst s1  }
0xa: {  	[smem:$0x3F94] =	sst s2  }
0xb: {  	[smem:$0x3F95] =	sst s3  }
0xc: {  	[smem:$0x3F96] =	sst s4  }
0xd: {  	[smem:$0x3F97] =	sst s5  }
0xe: {  	[smem:$0x3F98] =	sst s6  }
0xf: {  	[smem:$0x3F99] =	sst s7  }
0x10: {  	[smem:$0x3F9A] =	sst s8  }
0x11: {  	[smem:$0x3F9B] =	sst s9;
	s0 =	simm.s32 @!p0 $0x0  }
0x12: {  	s1 =	sld [smem:$0x3F81];
	s0 =	simm.s32 @p0 $0x1  }
0x13: {  	[smem:$0x3F9C] =	sst s0;
	s0 =	simm.s32 @!p1 $0x0  }
0x14: {  	s2 =	sld [smem:$0x3F80];
	s0 =	simm.s32 @p1 $0x1  }
0x15: {  	[smem:$0x3F9D] =	sst s0;
	s0 =	simm.s32 @!p2 $0x0  }
0x16: {  	s3 =	sld [smem:$0x3FDB];
	s0 =	simm.s32 @p2 $0x1  }
0x17: {  	s4 =	simm.s32 $0x1BF5;
	[smem:$0x3F9F] =	sst s0  }
0x18: {  	s0 =	sld [smem:$0x3F82];
	_ =	swait.ge [sflag:s4], $0x0  }
0x19: {  	s7 =	sld [smem:$0x3F83]  }
0x1a: {  	s8 =	sadd.s32 $0xFFFFE003, lr  }
0x1b: {  	s9 =	sadd.s32 $0xFFFFFEF7, lr;
	s5 =	simm.s32 $0xFFFFFFFF;
	p2 =	slt.u32 s8, $0xFFFFF086  }
0x1c: {  	p1 =	slt.u32 s9, $0xF7A;
	s5 =	simm.s32 @!p2 $0x0  }
0x1d: {  	s5 =	simm.s32 @p1 $0x1;
	p0 =	seq.s32 s7, s2  }
0x1e: {  	s7 =	smul.u32 @!p0 $0xF7A, s2;
	p2 =	seq.s32 @!p0 s5, $0x0  }
0x1f: {  	s9 =	smul.u32 $0xF7A, s1;
	s8 =	simm.s32 @!p0 $0x1BF5;
	p2 =	por !p2, p0  }
0x20: {  	[sflag:s8] =	ssyncset.s32 @!p0 $0xFFFFF086;
	s6 =	sadd.s32 @!p0 s3, s7;
	s7 =	simm.s32 @!p0 $0x108  }
0x21: {  	s3 =	sadd.s32 s3, s9;
	s6 =	sadd.s32 @!p0 $0x88, s6;
	s7 =	simm.s32 @p2 $0x1082  }
0x22: {  	[simem:s7], [sflag:s8] =	dma.local @!p0 [hbm:s6], $0xF7A  }
0x23: {  	s9 =	sor.u32 $0xD0000000, s2;
	s6 =	simm.s32 $0x108;
	_ =	swait.ge @!p0 [sflag:s8], $0x0  }
0x24: {  	s3 =	sadd.s32 $0x88, s3;
	s6 =	simm.s32 @!p1 $0x1082;
	[sflag:s4] =	ssyncset.s32 $0xFFFFF086  }
0x25: {  	[simem:s6], [sflag:s4] =	dma.local [hbm:s3], $0xF7A  }
0x26: {  	[smem:$0x3F83] =	sst s1;
	(tag) =	ssettag s2;
	_ =	strace s9  }
0x27: {  	s1 =	sld [smem:$0x3F93]  }
0x28: {  	s2 =	sld [smem:$0x3F94]  }
0x29: {  	s4 =	sld [smem:$0x3F96]  }
0x2a: {  	p0 =	seq.s32 s5, $0x0;
	s5 =	sld [smem:$0x3F97]  }
0x2b: {  	s6 =	sld [smem:$0x3F98]  }
0x2c: {  	s7 =	sld [smem:$0x3F99]  }
0x2d: {  	s3 =	simm.s32 $0x108;
	s8 =	sld [smem:$0x3F9A]  }
0x2e: {  	s3 =	simm.s32 @!p0 $0x1082;
	s9 =	sld [smem:$0x3F9B]  }
0x2f: {  	lr =	sadd.s32 s0, s3;
	s0 =	sld [smem:$0x3F92]  }
0x30: {  	s3 =	sld [smem:$0x3F95]  }
0x31: {  	[smem:$0x3F9E] =	sst s10  }
0x32: {  	s10 =	sld [smem:$0x3F9C];
	_ =	sdelay $0x3  }
0x33: {  	p0 =	seq.s32 s10, $0x1;
	s10 =	sld [smem:$0x3F9E];
	_ =	sdelay $0x3  }
0x34: {  	[smem:$0x3F9E] =	sst s10  }
0x35: {  	s10 =	sld [smem:$0x3F9D];
	_ =	sdelay $0x3  }
0x36: {  	p1 =	seq.s32 s10, $0x1;
	s10 =	sld [smem:$0x3F9E];
	_ =	sdelay $0x3  }
0x37: {  	[smem:$0x3F9E] =	sst s10  }
0x38: {  	s10 =	sld [smem:$0x3F9F]  }
0x39: {  	_ = 	snop;
	(pc) =	sbr.ind lr, $3  }
0x3a: {  	_ = 	snop  }
0x3b: {  	_ = 	snop  }
0x3c: {  	p2 =	seq.s32 s10, $0x1;
	s10 =	sld [smem:$0x3F9E]  }
0x3d: {  	_ =	shalt  }
0x3e: {  	_ =	shalt  }
0x3f: {  	_ =	shalt  }
0x40: {  	_ =	shalt  }
0x41: {  	_ =	shalt  }
0x42: {  	_ =	shalt  }
0x43: {  	_ =	shalt  }
0x44: {  	_ =	shalt  }
0x45: {  	_ =	shalt  }
0x46: {  	_ =	shalt  }
0x47: {  	_ =	shalt  }
0x48: {  	_ =	shalt  }
0x49: {  	_ =	shalt  }
0x4a: {  	_ =	shalt  }
0x4b: {  	_ =	shalt  }
0x4c: {  	_ =	shalt  }
0x4d: {  	_ =	shalt  }
0x4e: {  	_ =	shalt  }
0x4f: {  	_ =	shalt  }
0x50: {  	_ =	shalt  }
0x51: {  	_ =	shalt  }
0x52: {  	_ =	shalt  }
0x53: {  	_ =	shalt  }
0x54: {  	_ =	shalt  }
0x55: {  	_ =	shalt  }
0x56: {  	_ =	shalt  }
0x57: {  	_ =	shalt  }
0x58: {  	_ =	shalt  }
0x59: {  	_ =	shalt  }
0x5a: {  	_ =	shalt  }
0x5b: {  	_ =	shalt  }
0x5c: {  	_ =	shalt  }
0x5d: {  	_ =	shalt  }
0x5e: {  	_ =	shalt  }
0x5f: {  	_ =	shalt  }
0x60: {  	_ =	shalt  }
0x61: {  	_ =	shalt  }
0x62: {  	_ =	shalt  }
0x63: {  	_ =	shalt  }
0x64: {  	_ =	shalt  }
0x65: {  	_ =	shalt  }
0x66: {  	_ =	shalt  }
0x67: {  	_ =	shalt  }
0x68: {  	_ =	shalt  }
0x69: {  	_ =	shalt  }
0x6a: {  	_ =	shalt  }
0x6b: {  	_ =	shalt  }
0x6c: {  	_ =	shalt  }
0x6d: {  	_ =	shalt  }
0x6e: {  	_ =	shalt  }
0x6f: {  	_ =	shalt  }
0x70: {  	_ =	shalt  }
0x71: {  	_ =	shalt  }
0x72: {  	_ =	shalt  }
0x73: {  	_ =	shalt  }
0x74: {  	_ =	shalt  }
0x75: {  	_ =	shalt  }
0x76: {  	_ =	shalt  }
0x77: {  	_ =	shalt  }
0x78: {  	_ =	shalt  }
0x79: {  	_ =	shalt  }
0x7a: {  	_ =	shalt  }
0x7b: {  	_ =	shalt  }
0x7c: {  	_ =	shalt  }
0x7d: {  	_ =	shalt  }
0x7e: {  	_ =	shalt  }
0x7f: {  	_ =	shalt  }
0x80: {  	_ =	shalt  }
0x81: {  	_ =	shalt  }
0x82: {  	_ =	shalt  }
0x83: {  	_ =	shalt  }
0x84: {  	_ =	shalt  }
0x85: {  	_ =	shalt  }
0x86: {  	_ =	shalt  }
0x87: {  	_ =	shalt  }
.Lfunc_end0:
.L_simem_size_0:
called_computation.1_lowered:
.L_overlay_start_0:
0x88: {  	s2 =	sld [smem:$0x3FD9]  }
0x89: {  	s3 =	sld [smem:$0x3FFE];
	_ =	sdelay $0x1  }
0x8a: {  	s1 =	srdreg.scid  }
0x8b: {  	s0 =	sand.u32 $0x1, s1  }
0x8c: {  	s16 =	sshll.u32 s0, $0xA;
	s2 =	sadd.s32 s3, s2  }
0x8d: {  	s2 =	sadd.s32 s2, s16  }
0x8e: {  	[smem:$0x3FAA] =	sst s2  }
0x8f: {  	_ = 	snop  }
0x90: {  	(tm) =	ssettm $0x1  }
0x91: {  	s17 =	sld [smem:$0x3FFB];
	_ =	sdelay $0x3  }
0x92: {  	_ =	strace s17  }
0x93: {  	s2 =	sld [smem:$0x3FFC];
	_ =	sdelay $0x3  }
0x94: {  	_ =	strace s2  }
0x95: {  	s2 =	sld [smem:$0x3FFD];
	_ =	sdelay $0x3  }
0x96: {  	_ =	strace s2  }
0x97: {  	_ =	strace $0x8FFFFFFF  }
0x98: {  	s18 =	sld [smem:$0x3FDB];
	_ =	sdelay $0x1  }
0x99: {  	s19 =	simm.s32 $_scs_section_size  }
0x9a: {  	s4 =	simm.s32 $_size__tile_overlayer_lowered;
	s5 =	simm.s32 $_tile_overlayer_lowered  }
0x9b: {  	s22 =	simm.s32 $0x1BFF;
	s21 =	sshll.u32 s5, $0x1;
	s2 =	sadd.s32 s19, s18  }
0x9c: {  	s6 =	simm.s32 $0x0;
	s20 =	sshll.u32 s4, $0x1;
	s4 =	sadd.s32 s21, s2  }
0x9d: {  	[timem:s6], [sflag:s22] =	dma.local [hbm:s4], s20  }
0x9e: {  	_ =	swait.ge [sflag:s22], s20  }
0x9f: {  	s3 =	ssub.s32 $0x0, s20;
	[sflag:s22] =	ssyncset.done $0x0  }
0xa0: {  	[sflag:s22] =	ssyncadd.s32 s3;
	_ =	sdelay $0x1  }
0xa1: {  	s23 =	simm.s32 $0x1B8B  }
0xa2: {  	_ =	swait.ge [sflag:s23], $0x1  }
0xa3: {  	[sflag:s23] =	ssyncset.done $0x0  }
0xa4: {  	s25 =	simm.s32 $0x1B8E;
	s24 =	sld [smem:$0x3FFE];
	[sflag:s23] =	ssyncadd.s32 $0xFFFFFFFF  }
0xa5: {  	s26 =	simm.s32 $execute0_lowered;
	[smem:$0x3FD2] =	sst s25  }
0xa6: {  	s4 =	sshll.u32 s26, $0x1;
	_ =	strace $0x80000049;
	[dreg:$0x1] =	wrdreg $0xFFFFFFFF  }
0xa7: {  	s28 =	simm.s32 $_size_execute0_lowered;
	s2 =	sadd.s32 s2, s4;
	[dreg:$0x0] =	wrdreg $0x0  }
0xa8: {  	s4 =	sshll.u32 s28, $0x1;
	[dreg:$0x2] =	wrdreg s2  }
0xa9: {  	[dreg:$0x3] =	wrdreg s4  }
0xaa: {  	[dreg:$0x4] =	wrdreg $0xC0  }
0xab: {  	_ =	task [dreg:s6], $0x5FFFF  }
0xac: {  	[dreg:$0x1] =	wrdreg $0xFFFFFFFF  }
0xad: {  	[dreg:$0x0] =	wrdreg $0x60  }
0xae: {  	[dreg:$0x2] =	wrdreg s24  }
0xaf: {  	[dreg:$0x3] =	wrdreg $0xC0000  }
0xb0: {  	[dreg:$0x4] =	wrdreg $0x70000  }
0xb1: {  	[dreg:$0x5] =	wrdreg $0x9  }
0xb2: {  	_ =	task.clear_ibuf [dreg:s6], $0x6FFFF;
	_ =	strace $0x90000049  }
0xb3: {  	s29 =	simm.s32 $0x9;
	_ =	strace $0x8000004B  }
0xb4: {  	_ =	swait.ge [sflag:s29], $0x1  }
0xb5: {  	[sflag:s29] =	ssyncadd.s32 $0xFFFFFFFF  }
0xb6: {  	_ =	strace $0x9000004B  }
0xb7: {  	_ =	sfence  }
0xb8: {  	s30 =	sld [smem:$0x0];
	_ =	sdelay $0x2  }
0xb9: {  	s31 =	sshll.u32 s1, $0xD;
	s1 =	sshrl.u32 s1, $0x2  }
0xba: {  	s3 =	sand.u32 $0x4000, s31;
	s1 =	sadd.s32 s1, s30  }
0xbb: {  	s0 =	sor.u32 s3, s0;
	s1 =	sshll.u32 s1, $0x11  }
0xbc: {  	s0 =	sor.u32 s1, s0  }
0xbd: {  	s0 =	sadd.s32 $0x8F2B, s0  }
0xbe: {  	[sflag:s0] =	ssyncadd.remote.s32 $0x1  }
0xbf: {  	_ =	sfence.sel $0xFFFF  }
0xc0: {  	[dreg:$0x0] =	wrdreg $0xFFFFFFFF;
	(pc) =	sbr.abs _section_cstart, $3  }
0xc1: {  	[dreg:$0x1] =	wrdreg $0xFFFFFFFF  }
0xc2: {  	_ =	task.clear_ibuf [dreg:s6], $0x2FFFF;
	_ =	strace $0x9FFFFFFF  }
0xc3: {  	(tm) =	ssettm $0x7FFFFFFF  }
tec
execute0_lowered:
.L_overlay_start_1:
0x0: {  	(tag) =	ssettag $0x1  }
0x1: {  	s5 =	rddreg [dreg:$0x0]  }
0x2: {  	s0 =	stileid.u32;
	s2 =	rddreg [dreg:$0x1]  }
0x3: {  	s1 =	srdreg.scid;
	s3 =	rddreg [dreg:$0x2]  }
0x4: {  	s4 =	simm.s32 $0x0;
	s15 =	simm.s32 $0x80;
	s16 =	simm.s32 $0x5000  }
0x5: {  	s17 =	simm.s32 $0x1;
	s18 =	simm.s32 $0x6000;
	s19 =	simm.s32 $0x2  }
0x6: {  	s20 =	simm.s32 $0x3;
	s21 =	simm.s32 $0x4;
	s22 =	simm.s32 $0x2780  }
0x7: {  	s23 =	simm.s32 $0x4F00;
	s26 =	simm.s32 $0x0;
	s6 =	sand.u32 $0x1, s1  }
0x8: {  	s30 =	sshll.u32 s0, $0x1;
	s8 =	smul.u32 $0x5000, s0;
	[smem:$0x7FF] =	sst s4  }
0x9: {  	s12 =	sshll.u32 s0, $0x6;
	s7 =	sor.u32 s6, s30;
	s9 =	smul.u32 $0xA000, s6  }
0xa: {  	_ =	strace $0x8000004A;
	s6 =	ssub.s32 $0x2, s6;
	s12 =	sor.u32 $0x1C05, s12  }
0xb: {  	s7 =	smul.u32 $0x500, s7;
	s24 =	sshrl.u32 s8, $0x3;
	s31 =	sshrl.u32 s6, $0x1  }
0xc: {  	s13 =	sadd.s32 s8, s2;
	s14 =	sadd.s32 s8, s3;
	s10 =	sadd.s32 s24, s5  }
0xd: {  	s9 =	sadd.s32 s9, s5;
	s11 =	ssub.s32 s6, s31;
	s13 =	sshrl.u32 s13, $0x3  }
0xe: {  	s14 =	sshrl.u32 s14, $0x3;
	s7 =	sadd.s32 s7, s5;
	s8 =	sadd.s32 $0x4200, s10  }
0xf: {  	s25 =	sadd.s32 $0x2C200, s9;
	s9 =	smax.u32 s11, $0x1;
	s11 =	simm.s32 $0x2800  }
0x10: {  	s5 =	sadd.s32 $0x22200, s7;
	s6 =	sadd.s32 $0x18200, s7;
	s7 =	sadd.s32 $0xE200, s10  }
0x11: {  	s10 =	simm.s32 $0x5;
	s24 =	sadd.s32 s24, s25;
	s25 =	simm.s32 $0x4F80  }
.LBB2_1:
0x12: {  	[tilespmem:s4], [sflag:$0x5] =	stream.linear.gather [hbm4b:s5+s4], $0x2800, $0x38;
	[tilespmem:$0x11000] =	vst v63  }
0x13: {  	_ =	swait.ge [sflag:s10], $0x2800  }
0x14: {  	[sflag:s10] =	ssyncset.done $0x0  }
0x15: {  	[sflag:s10] =	ssyncadd.s32 $0xFFFFD800  }
0x16: {  	[tilespmem:s11], [sflag:$0x5] =	stream.linear.gather [hbm4b:s6+s4], $0x2800, $0x38;
	[tilespmem:$0x11000] =	vst v63  }
0x17: {  	_ =	swait.ge [sflag:s10], $0x2800  }
0x18: {  	[sflag:s10] =	ssyncset.done $0x0  }
0x19: {  	[sflag:s10] =	ssyncadd.s32 $0xFFFFD800  }
0x1a: {  	[spmem:s13], [sflag:s12] =	dma.local [hbm:s7], $0xA00  }
0x1b: {  	_ =	swait.ge [sflag:s10], $0xA00  }
0x1c: {  	[sflag:s10] =	ssyncset.done $0x0  }
0x1d: {  	[sflag:s10] =	ssyncadd.s32 $0xFFFFF600  }
0x1e: {  	[spmem:s14], [sflag:s12] =	dma.local [hbm:s8], $0xA00  }
0x1f: {  	_ =	swait.ge [sflag:s10], $0xA00  }
0x20: {  	[sflag:s10] =	ssyncset.done $0x0  }
0x21: {  	[sflag:s10] =	ssyncadd.s32 $0xFFFFF600  }
0x22: {  	[bflag:$0x0] =	sbarrier.arrive $0xFFFF  }
0x23: {  	[tilespmem:s16], [sflag:$0x1] =	stream.indirect.gather [spmem:s3], $0x20, s4, s15, $0xb8;
	[tilespmem:$0x11000] =	vst v63  }
0x24: {  	_ =	swait.ge [sflag:s17], $0x1000  }
0x25: {  	[sflag:s17] =	ssyncset.done $0x0  }
0x26: {  	s28 =	simm.s32 $0x80;
	[sflag:s17] =	ssyncadd.s32 $0xFFFFF000  }
0x27: {  	[tilespmem:s18], [sflag:$0x2] =	stream.indirect.gather [spmem:s3], $0x20, s28, s15, $0xb8;
	[tilespmem:$0x11000] =	vst v63  }
0x28: {  	s28 =	simm.s32 $0x2800  }
0x29: {  	[spmem:s2] =	stream.indirect.scatter.add.f32 [tilespmem:s16], [sflag:$0x3], $0x20, s28, s15, $0xb8;
	[tilespmem:$0x11000] =	vst v63  }
0x2a: {  	_ =	swait.ge [sflag:s19], $0x1000  }
0x2b: {  	[sflag:s19] =	ssyncset.done $0x0  }
0x2c: {  	[sflag:s19] =	ssyncadd.s32 $0xFFFFF000  }
0x2d: {  	_ =	swait.ge [sflag:s20], $0x1000  }
0x2e: {  	[sflag:s20] =	ssyncset.done $0x0  }
0x2f: {  	s28 =	simm.s32 $0x100;
	[sflag:s20] =	ssyncadd.s32 $0xFFFFF000  }
0x30: {  	[tilespmem:s16], [sflag:$0x1] =	stream.indirect.gather [spmem:s3], $0x20, s28, s15, $0xb8;
	[tilespmem:$0x11000] =	vst v63  }
0x31: {  	s28 =	simm.s32 $0x2880  }
0x32: {  	[spmem:s2] =	stream.indirect.scatter.add.f32 [tilespmem:s18], [sflag:$0x4], $0x20, s28, s15, $0xb8;
	[tilespmem:$0x11000] =	vst v63  }
0x33: {  	_ =	swait.ge [sflag:s17], $0x1000  }
0x34: {  	[sflag:s17] =	ssyncset.done $0x0  }
0x35: {  	[sflag:s17] =	ssyncadd.s32 $0xFFFFF000  }
0x36: {  	_ =	swait.ge [sflag:s21], $0x1000  }
0x37: {  	s29 =	simm.s32 $0x800;
	s28 =	simm.s32 $0x100;
	[sflag:s21] =	ssyncset.done $0x0  }
.LBB2_2:
0x38: {  	s30 =	sadd.s32 $0x80, s28  }
0x39: {  	[sflag:s21] =	ssyncadd.s32 $0xFFFFF000;
	s31 =	smov.u32 s29;
	s1 =	sadd.s32 $0x400, s29  }
0x3a: {  	[tilespmem:s18], [sflag:$0x2] =	stream.indirect.gather [spmem:s3], $0x20, s30, s15, $0xb8;
	[tilespmem:$0x11000] =	vst v63  }
0x3b: {  	p0 =	sne.s32 s29, $0x9800;
	s29 =	sadd.s32 $0x2800, s28  }
0x3c: {  	[spmem:s2] =	stream.indirect.scatter.add.f32 [tilespmem:s16], [sflag:$0x3], $0x20, s29, s15, $0xb8;
	[tilespmem:$0x11000] =	vst v63  }
0x3d: {  	_ =	swait.ge [sflag:s19], $0x1000  }
0x3e: {  	[sflag:s19] =	ssyncset.done $0x0  }
0x3f: {  	[sflag:s19] =	ssyncadd.s32 $0xFFFFF000  }
0x40: {  	_ =	swait.ge [sflag:s20], $0x1000  }
0x41: {  	[sflag:s20] =	ssyncset.done $0x0  }
0x42: {  	s29 =	sadd.s32 $0x100, s28;
	[sflag:s20] =	ssyncadd.s32 $0xFFFFF000  }
0x43: {  	[tilespmem:s16], [sflag:$0x1] =	stream.indirect.gather [spmem:s3], $0x20, s29, s15, $0xb8;
	[tilespmem:$0x11000] =	vst v63  }
0x44: {  	s28 =	sadd.s32 $0x2880, s28  }
0x45: {  	[spmem:s2] =	stream.indirect.scatter.add.f32 [tilespmem:s18], [sflag:$0x4], $0x20, s28, s15, $0xb8;
	[tilespmem:$0x11000] =	vst v63  }
.Ltmp0:
0x46: {  	_ =	swait.ge [sflag:s17], $0x1000;
	(pc) =	sbr.rel @p0 .LBB2_2-.Ltmp0, $4  }
0x47: {  	[sflag:s17] =	ssyncset.done $0x0  }
0x48: {  	[sflag:s17] =	ssyncadd.s32 $0xFFFFF000  }
0x49: {  	_ =	swait.ge [sflag:s21], $0x1000  }
0x4a: {  	s29 =	smov.u32 s1;
	s28 =	sshra.s32 s31, $0x2;
	[sflag:s21] =	ssyncset.done $0x0  }
0x4b: {  	s1 =	sadd.s32 $0x80, s28;
	[sflag:s21] =	ssyncadd.s32 $0xFFFFF000  }
0x4c: {  	[tilespmem:s18], [sflag:$0x2] =	stream.indirect.gather [spmem:s3], $0x20, s1, s15, $0xb8;
	[tilespmem:$0x11000] =	vst v63  }
0x4d: {  	s29 =	sadd.s32 $0x2800, s28  }
0x4e: {  	[spmem:s2] =	stream.indirect.scatter.add.f32 [tilespmem:s16], [sflag:$0x3], $0x20, s29, s15, $0xb8;
	[tilespmem:$0x11000] =	vst v63  }
0x4f: {  	_ =	swait.ge [sflag:s19], $0x1000  }
0x50: {  	[sflag:s19] =	ssyncset.done $0x0  }
0x51: {  	[sflag:s19] =	ssyncadd.s32 $0xFFFFF000  }
0x52: {  	_ =	swait.ge [sflag:s20], $0x1000  }
0x53: {  	[sflag:s20] =	ssyncset.done $0x0  }
0x54: {  	s30 =	sadd.s32 $0x100, s28;
	[sflag:s20] =	ssyncadd.s32 $0xFFFFF000  }
0x55: {  	[tilespmem:s16], [sflag:$0x1] =	stream.indirect.gather [spmem:s3], $0x20, s30, s15, $0xb8;
	[tilespmem:$0x11000] =	vst v63  }
0x56: {  	s31 =	sadd.s32 $0x2880, s28  }
0x57: {  	[spmem:s2] =	stream.indirect.scatter.add.f32 [tilespmem:s18], [sflag:$0x4], $0x20, s31, s15, $0xb8;
	[tilespmem:$0x11000] =	vst v63  }
0x58: {  	_ =	swait.ge [sflag:s17], $0x1000  }
0x59: {  	[sflag:s17] =	ssyncset.done $0x0  }
0x5a: {  	[sflag:s17] =	ssyncadd.s32 $0xFFFFF000  }
0x5b: {  	_ =	swait.ge [sflag:s21], $0x1000  }
0x5c: {  	[sflag:s21] =	ssyncset.done $0x0  }
0x5d: {  	[sflag:s21] =	ssyncadd.s32 $0xFFFFF000  }
0x5e: {  	[tilespmem:s18], [sflag:$0x2] =	stream.indirect.gather [spmem:s3], $0x20, s22, s15, $0xb8;
	[tilespmem:$0x11000] =	vst v63  }
0x5f: {  	_ = 	snop  }
0x60: {  	[spmem:s2] =	stream.indirect.scatter.add.f32 [tilespmem:s16], [sflag:$0x3], $0x20, s23, s15, $0xb8;
	[tilespmem:$0x11000] =	vst v63  }
0x61: {  	_ =	swait.ge [sflag:s19], $0x1000  }
0x62: {  	[sflag:s19] =	ssyncset.done $0x0  }
0x63: {  	[sflag:s19] =	ssyncadd.s32 $0xFFFFF000  }
0x64: {  	_ =	swait.ge [sflag:s20], $0x1000  }
0x65: {  	[sflag:s20] =	ssyncset.done $0x0  }
0x66: {  	[sflag:s20] =	ssyncadd.s32 $0xFFFFF000  }
0x67: {  	[tilespmem:s16], [sflag:$0x1] =	stream.indirect.gather [spmem:s3], $0x20, s22, s15, $0xb8;
	[tilespmem:$0x11000] =	vst v63  }
0x68: {  	_ = 	snop  }
0x69: {  	[spmem:s2] =	stream.indirect.scatter.add.f32 [tilespmem:s18], [sflag:$0x4], $0x20, s25, s15, $0xb8;
	[tilespmem:$0x11000] =	vst v63  }
0x6a: {  	_ =	swait.ge [sflag:s17], $0x1000  }
0x6b: {  	[sflag:s17] =	ssyncset.done $0x0  }
0x6c: {  	[sflag:s17] =	ssyncadd.s32 $0xFFFFF000  }
0x6d: {  	_ =	swait.ge [sflag:s21], $0x1000  }
0x6e: {  	s26 =	sadd.s32 $0x1, s26;
	[sflag:s21] =	ssyncset.done $0x0  }
0x6f: {  	p0 =	sne.s32 s26, s9;
	[sflag:s21] =	ssyncadd.s32 $0xFFFFF000  }
.Ltmp1:
0x70: {  	[bflag:$0x0] =	sbarrier.arrive $0xFFFF;
	(pc) =	sbr.rel @p0 .LBB2_1-.Ltmp1, $4  }
0x71: {  	[hbm:s24], [sflag:s12] =	dma.local [spmem:s13], $0xA00  }
0x72: {  	_ =	swait.ge [sflag:s10], $0xA00  }
0x73: {  	[sflag:s10] =	ssyncset.done $0x0  }
0x74: {  	[sflag:s10] =	ssyncadd.s32 $0xFFFFF600  }
0x75: {  	_ =	sfence.sel $0x180000  }
0x76: {  	[bflag:$0x0] =	sbarrier.arrive $0xFFFF  }
0x77: {  	_ =	strace $0x9000004A  }
0x78: {  	[bflag:$0x2] =	sbarrier.arrive $0xFFFF  }
0x79: {  	p0 =	sne.s32 s0, $0x0;
	s0 =	rddreg [dreg:$0x3]  }
0x7a: {  	s0 =	sadd.s32 @!p0 $0x100000, s0  }
0x7b: {  	[sflag:s0] =	ssyncadd.tile.s32 @!p0 $0x1;
	_ =	shalt  }
.Lfunc_end2:
_tile_overlayer_lowered:
.L_overlay_start_2:
0x7c: {  	(tag) =	ssettag $0x2  }
0x7d: {  	s0 =	rddreg [dreg:$0x0];
	s2 =	stileid.u32  }
0x7e: {  	s1 =	rddreg [dreg:$0x1];
	p0 =	sne.s32 s2, $0x0  }
0x7f: {  	s3 =	rddreg [dreg:$0x2];
	[bflag:$0x3] =	sbarrier.arrive $0xFFFF;
	s2 =	simm.s32 @!p0 $0x1C05  }
0x80: {  	[timem:s3], [sflag:s2] =	dma.local @!p0 [hbm:s0], s1  }
0x81: {  	s0 =	simm.s32 @!p0 $0x5  }
0x82: {  	_ =	swait.ge @!p0 [sflag:s0], s1  }
0x83: {  	s1 =	ssub.s32 @!p0 $0x0, s1;
	[sflag:s0] =	ssyncset.done @!p0 $0x0  }
0x84: {  	[sflag:s0] =	ssyncadd.s32 @!p0 s1  }
0x85: {  	[bflag:$0x3] =	sbarrier.arrive $0xFFFF  }
0x86: {  	_ =	shalt  }

// kernel: kernel.7.cloned.1.call-start
scs
__scs_entry_jumppad:
0x0: {  	(pc) =	sbr.rel $0x88, $3  }
0x1: {  	(tag) =	ssettag $0x0;
	lr =	simm.s32 $0x1  }
0x2: {  	[smem:$0x3F83] =	sst lr;
	_ =	strace $0xD0000000  }
0x3: {  	_ = 	snop  }
0x4: {  	_ = 	snop  }
0x5: {  	_ = 	snop  }
0x6: {  	_ = 	snop  }
0x7: {  	_ = 	snop  }
__scs_overlays_trampoline_lowered:
0x8: {  	[smem:$0x3F92] =	sst s0  }
0x9: {  	[smem:$0x3F93] =	sst s1  }
0xa: {  	[smem:$0x3F94] =	sst s2  }
0xb: {  	[smem:$0x3F95] =	sst s3  }
0xc: {  	[smem:$0x3F96] =	sst s4  }
0xd: {  	[smem:$0x3F97] =	sst s5  }
0xe: {  	[smem:$0x3F98] =	sst s6  }
0xf: {  	[smem:$0x3F99] =	sst s7  }
0x10: {  	[smem:$0x3F9A] =	sst s8  }
0x11: {  	[smem:$0x3F9B] =	sst s9;
	s0 =	simm.s32 @!p0 $0x0  }
0x12: {  	s1 =	sld [smem:$0x3F81];
	s0 =	simm.s32 @p0 $0x1  }
0x13: {  	[smem:$0x3F9C] =	sst s0;
	s0 =	simm.s32 @!p1 $0x0  }
0x14: {  	s2 =	sld [smem:$0x3F80];
	s0 =	simm.s32 @p1 $0x1  }
0x15: {  	[smem:$0x3F9D] =	sst s0;
	s0 =	simm.s32 @!p2 $0x0  }
0x16: {  	s3 =	sld [smem:$0x3FDB];
	s0 =	simm.s32 @p2 $0x1  }
0x17: {  	s4 =	simm.s32 $0x1BF5;
	[smem:$0x3F9F] =	sst s0  }
0x18: {  	s0 =	sld [smem:$0x3F82];
	_ =	swait.ge [sflag:s4], $0x0  }
0x19: {  	s7 =	sld [smem:$0x3F83]  }
0x1a: {  	s8 =	sadd.s32 $0xFFFFE003, lr  }
0x1b: {  	s9 =	sadd.s32 $0xFFFFFEF7, lr;
	s5 =	simm.s32 $0xFFFFFFFF;
	p2 =	slt.u32 s8, $0xFFFFF086  }
0x1c: {  	p1 =	slt.u32 s9, $0xF7A;
	s5 =	simm.s32 @!p2 $0x0  }
0x1d: {  	s5 =	simm.s32 @p1 $0x1;
	p0 =	seq.s32 s7, s2  }
0x1e: {  	s7 =	smul.u32 @!p0 $0xF7A, s2;
	p2 =	seq.s32 @!p0 s5, $0x0  }
0x1f: {  	s9 =	smul.u32 $0xF7A, s1;
	s8 =	simm.s32 @!p0 $0x1BF5;
	p2 =	por !p2, p0  }
0x20: {  	[sflag:s8] =	ssyncset.s32 @!p0 $0xFFFFF086;
	s6 =	sadd.s32 @!p0 s3, s7;
	s7 =	simm.s32 @!p0 $0x108  }
0x21: {  	s3 =	sadd.s32 s3, s9;
	s6 =	sadd.s32 @!p0 $0x88, s6;
	s7 =	simm.s32 @p2 $0x1082  }
0x22: {  	[simem:s7], [sflag:s8] =	dma.local @!p0 [hbm:s6], $0xF7A  }
0x23: {  	s9 =	sor.u32 $0xD0000000, s2;
	s6 =	simm.s32 $0x108;
	_ =	swait.ge @!p0 [sflag:s8], $0x0  }
0x24: {  	s3 =	sadd.s32 $0x88, s3;
	s6 =	simm.s32 @!p1 $0x1082;
	[sflag:s4] =	ssyncset.s32 $0xFFFFF086  }
0x25: {  	[simem:s6], [sflag:s4] =	dma.local [hbm:s3], $0xF7A  }
0x26: {  	[smem:$0x3F83] =	sst s1;
	(tag) =	ssettag s2;
	_ =	strace s9  }
0x27: {  	s1 =	sld [smem:$0x3F93]  }
0x28: {  	s2 =	sld [smem:$0x3F94]  }
0x29: {  	s4 =	sld [smem:$0x3F96]  }
0x2a: {  	p0 =	seq.s32 s5, $0x0;
	s5 =	sld [smem:$0x3F97]  }
0x2b: {  	s6 =	sld [smem:$0x3F98]  }
0x2c: {  	s7 =	sld [smem:$0x3F99]  }
0x2d: {  	s3 =	simm.s32 $0x108;
	s8 =	sld [smem:$0x3F9A]  }
0x2e: {  	s3 =	simm.s32 @!p0 $0x1082;
	s9 =	sld [smem:$0x3F9B]  }
0x2f: {  	lr =	sadd.s32 s0, s3;
	s0 =	sld [smem:$0x3F92]  }
0x30: {  	s3 =	sld [smem:$0x3F95]  }
0x31: {  	[smem:$0x3F9E] =	sst s10  }
0x32: {  	s10 =	sld [smem:$0x3F9C];
	_ =	sdelay $0x3  }
0x33: {  	p0 =	seq.s32 s10, $0x1;
	s10 =	sld [smem:$0x3F9E];
	_ =	sdelay $0x3  }
0x34: {  	[smem:$0x3F9E] =	sst s10  }
0x35: {  	s10 =	sld [smem:$0x3F9D];
	_ =	sdelay $0x3  }
0x36: {  	p1 =	seq.s32 s10, $0x1;
	s10 =	sld [smem:$0x3F9E];
	_ =	sdelay $0x3  }
0x37: {  	[smem:$0x3F9E] =	sst s10  }
0x38: {  	s10 =	sld [smem:$0x3F9F]  }
0x39: {  	_ = 	snop;
	(pc) =	sbr.ind lr, $3  }
0x3a: {  	_ = 	snop  }
0x3b: {  	_ = 	snop  }
0x3c: {  	p2 =	seq.s32 s10, $0x1;
	s10 =	sld [smem:$0x3F9E]  }
0x3d: {  	_ =	shalt  }
0x3e: {  	_ =	shalt  }
0x3f: {  	_ =	shalt  }
0x40: {  	_ =	shalt  }
0x41: {  	_ =	shalt  }
0x42: {  	_ =	shalt  }
0x43: {  	_ =	shalt  }
0x44: {  	_ =	shalt  }
0x45: {  	_ =	shalt  }
0x46: {  	_ =	shalt  }
0x47: {  	_ =	shalt  }
0x48: {  	_ =	shalt  }
0x49: {  	_ =	shalt  }
0x4a: {  	_ =	shalt  }
0x4b: {  	_ =	shalt  }
0x4c: {  	_ =	shalt  }
0x4d: {  	_ =	shalt  }
0x4e: {  	_ =	shalt  }
0x4f: {  	_ =	shalt  }
0x50: {  	_ =	shalt  }
0x51: {  	_ =	shalt  }
0x52: {  	_ =	shalt  }
0x53: {  	_ =	shalt  }
0x54: {  	_ =	shalt  }
0x55: {  	_ =	shalt  }
0x56: {  	_ =	shalt  }
0x57: {  	_ =	shalt  }
0x58: {  	_ =	shalt  }
0x59: {  	_ =	shalt  }
0x5a: {  	_ =	shalt  }
0x5b: {  	_ =	shalt  }
0x5c: {  	_ =	shalt  }
0x5d: {  	_ =	shalt  }
0x5e: {  	_ =	shalt  }
0x5f: {  	_ =	shalt  }
0x60: {  	_ =	shalt  }
0x61: {  	_ =	shalt  }
0x62: {  	_ =	shalt  }
0x63: {  	_ =	shalt  }
0x64: {  	_ =	shalt  }
0x65: {  	_ =	shalt  }
0x66: {  	_ =	shalt  }
0x67: {  	_ =	shalt  }
0x68: {  	_ =	shalt  }
0x69: {  	_ =	shalt  }
0x6a: {  	_ =	shalt  }
0x6b: {  	_ =	shalt  }
0x6c: {  	_ =	shalt  }
0x6d: {  	_ =	shalt  }
0x6e: {  	_ =	shalt  }
0x6f: {  	_ =	shalt  }
0x70: {  	_ =	shalt  }
0x71: {  	_ =	shalt  }
0x72: {  	_ =	shalt  }
0x73: {  	_ =	shalt  }
0x74: {  	_ =	shalt  }
0x75: {  	_ =	shalt  }
0x76: {  	_ =	shalt  }
0x77: {  	_ =	shalt  }
0x78: {  	_ =	shalt  }
0x79: {  	_ =	shalt  }
0x7a: {  	_ =	shalt  }
0x7b: {  	_ =	shalt  }
0x7c: {  	_ =	shalt  }
0x7d: {  	_ =	shalt  }
0x7e: {  	_ =	shalt  }
0x7f: {  	_ =	shalt  }
0x80: {  	_ =	shalt  }
0x81: {  	_ =	shalt  }
0x82: {  	_ =	shalt  }
0x83: {  	_ =	shalt  }
0x84: {  	_ =	shalt  }
0x85: {  	_ =	shalt  }
0x86: {  	_ =	shalt  }
0x87: {  	_ =	shalt  }
.Lfunc_end0:
.L_simem_size_0:
called_computation_lowered:
.L_overlay_start_0:
0x88: {  	s2 =	sld [smem:$0x3FD9]  }
0x89: {  	s3 =	sld [smem:$0x3FFE];
	_ =	sdelay $0x1  }
0x8a: {  	s1 =	srdreg.scid  }
0x8b: {  	s0 =	sand.u32 $0x1, s1  }
0x8c: {  	s17 =	sshll.u32 s0, $0xA;
	s2 =	sadd.s32 s3, s2  }
0x8d: {  	s2 =	sadd.s32 s2, s17  }
0x8e: {  	[smem:$0x3FAA] =	sst s2  }
0x8f: {  	_ = 	snop  }
0x90: {  	s2 =	sld [smem:$0x3FD0];
	(tm) =	ssettm $0x1  }
0x91: {  	s18 =	sld [smem:$0x3FFB];
	_ =	sdelay $0x3  }
0x92: {  	_ =	strace s18  }
0x93: {  	s3 =	sld [smem:$0x3FFC];
	_ =	sdelay $0x3  }
0x94: {  	_ =	strace s3  }
0x95: {  	s3 =	sld [smem:$0x3FFD];
	_ =	sdelay $0x3  }
0x96: {  	_ =	strace s3  }
0x97: {  	_ =	strace $0x8FFFFFFF  }
0x98: {  	s19 =	sld [smem:$0x3FDB];
	_ =	sdelay $0x1  }
0x99: {  	s4 =	simm.s32 $_scs_section_size  }
0x9a: {  	s5 =	simm.s32 $_size__tile_overlayer_lowered;
	s6 =	simm.s32 $_tile_overlayer_lowered  }
0x9b: {  	s22 =	simm.s32 $0x1BFF;
	s21 =	sshll.u32 s6, $0x1;
	s3 =	sadd.s32 s4, s19  }
0x9c: {  	s7 =	simm.s32 $0x0;
	s20 =	sshll.u32 s5, $0x1;
	s5 =	sadd.s32 s21, s3  }
0x9d: {  	[timem:s7], [sflag:s22] =	dma.local [hbm:s5], s20  }
0x9e: {  	_ =	swait.ge [sflag:s22], s20  }
0x9f: {  	s4 =	ssub.s32 $0x0, s20;
	[sflag:s22] =	ssyncset.done $0x0  }
0xa0: {  	[sflag:s22] =	ssyncadd.s32 s4;
	_ =	sdelay $0x1  }
0xa1: {  	s23 =	simm.s32 $0x1B8B  }
0xa2: {  	_ =	swait.ge [sflag:s23], $0x1  }
0xa3: {  	[sflag:s23] =	ssyncset.done $0x0  }
0xa4: {  	s25 =	simm.s32 $0x1B8E;
	s24 =	sld [smem:$0x3FFE];
	[sflag:s23] =	ssyncadd.s32 $0xFFFFFFFF  }
0xa5: {  	s26 =	simm.s32 $execute0_lowered;
	[smem:$0x3FD2] =	sst s25  }
0xa6: {  	s5 =	sshll.u32 s26, $0x1;
	_ =	strace $0x80000046;
	[dreg:$0x1] =	wrdreg $0xFFFFFFFF  }
0xa7: {  	s28 =	simm.s32 $_size_execute0_lowered;
	s3 =	sadd.s32 s3, s5;
	[dreg:$0x0] =	wrdreg $0x0  }
0xa8: {  	s5 =	sshll.u32 s28, $0x1;
	[dreg:$0x2] =	wrdreg s3  }
0xa9: {  	[dreg:$0x3] =	wrdreg s5  }
0xaa: {  	[dreg:$0x4] =	wrdreg $0xC0  }
0xab: {  	_ =	task [dreg:s7], $0x5FFFF  }
0xac: {  	[dreg:$0x1] =	wrdreg $0xFFFFFFFF  }
0xad: {  	[dreg:$0x0] =	wrdreg $0x60  }
0xae: {  	[dreg:$0x2] =	wrdreg s24  }
0xaf: {  	[dreg:$0x3] =	wrdreg s2  }
0xb0: {  	[dreg:$0x4] =	wrdreg $0x15A800  }
0xb1: {  	[dreg:$0x5] =	wrdreg $0x1FA800  }
0xb2: {  	[dreg:$0x6] =	wrdreg $0xBA800  }
0xb3: {  	[dreg:$0x7] =	wrdreg $0x9  }
0xb4: {  	_ =	task.clear_ibuf [dreg:s7], $0x8FFFF;
	_ =	strace $0x90000046  }
0xb5: {  	s29 =	simm.s32 $0x9;
	_ =	strace $0x80000048  }
0xb6: {  	_ =	swait.ge [sflag:s29], $0x1  }
0xb7: {  	[sflag:s29] =	ssyncadd.s32 $0xFFFFFFFF  }
0xb8: {  	_ =	strace $0x90000048  }
0xb9: {  	_ =	sfence  }
0xba: {  	s30 =	sld [smem:$0x0];
	_ =	sdelay $0x2  }
0xbb: {  	s31 =	sshll.u32 s1, $0xD;
	s1 =	sshrl.u32 s1, $0x2  }
0xbc: {  	s3 =	sand.u32 $0x4000, s31;
	s1 =	sadd.s32 s1, s30  }
0xbd: {  	s0 =	sor.u32 s3, s0;
	s1 =	sshll.u32 s1, $0x11  }
0xbe: {  	s0 =	sor.u32 s1, s0  }
0xbf: {  	s0 =	sadd.s32 $0x8F2B, s0  }
0xc0: {  	[sflag:s0] =	ssyncadd.remote.s32 $0x1  }
0xc1: {  	_ =	sfence.sel $0xFFFF  }
0xc2: {  	[dreg:$0x0] =	wrdreg $0xFFFFFFFF;
	(pc) =	sbr.abs _section_cstart, $3  }
0xc3: {  	[dreg:$0x1] =	wrdreg $0xFFFFFFFF  }
0xc4: {  	_ =	task.clear_ibuf [dreg:s7], $0x2FFFF;
	_ =	strace $0x9FFFFFFF  }
0xc5: {  	(tm) =	ssettm $0x7FFFFFFF  }
tec
execute0_lowered:
.L_overlay_start_1:
0x0: {  	(tag) =	ssettag $0x1  }
0x1: {  	s0 =	rddreg [dreg:$0x0]  }
0x2: {  	s3 =	rddreg [dreg:$0x2]  }
0x3: {  	s4 =	rddreg [dreg:$0x3]  }
0x4: {  	s5 =	rddreg [dreg:$0x4]  }
0x5: {  	s7 =	stileid.u32;
	s1 =	srdreg.scid  }
0x6: {  	s6 =	simm.s32 $0x0;
	s16 =	simm.s32 $0x5;
	s18 =	simm.s32 $0x9000  }
0x7: {  	s19 =	simm.s32 $0xB800;
	s21 =	simm.s32 $0x80;
	s28 =	simm.s32 $0x2  }
0x8: {  	s29 =	simm.s32 $0x3;
	s30 =	simm.s32 $0x4;
	s8 =	smul.u32 $0xA000, s7  }
0x9: {  	s31 =	simm.s32 $0x2780;
	s1 =	sand.u32 $0x1, s1;
	s12 =	smul.u32 $0x280, s7  }
0xa: {  	s2 =	sshll.u32 s7, $0x1;
	[smem:$0x7FF] =	sst s6;
	s9 =	smul.u32 $0x14000, s1  }
0xb: {  	s13 =	sadd.s32 $0x40200, s0;
	s2 =	sor.u32 s1, s2;
	s10 =	smul.u32 $0x500, s1  }
0xc: {  	_ =	strace $0x80000047;
	s1 =	ssub.s32 $0x2, s1;
	s2 =	smul.u32 $0x500, s2  }
0xd: {  	s17 =	sshrl.u32 s8, $0x3;
	s23 =	sshrl.u32 s1, $0x1;
	s25 =	sadd.s32 s8, s3  }
0xe: {  	s26 =	sshrl.u32 s12, $0x3;
	s12 =	sadd.s32 s12, s4;
	s8 =	sadd.s32 s8, s5  }
0xf: {  	s14 =	sadd.s32 s17, s0;
	s15 =	sadd.s32 s9, s0;
	s1 =	ssub.s32 s1, s23  }
0x10: {  	[dreg:$0x8] =	wrdreg s25;
	s20 =	sshrl.u32 s8, $0x3;
	s23 =	simm.s32 $0x5000  }
0x11: {  	s25 =	simm.s32 $0x1;
	s2 =	sadd.s32 s2, s0;
	s0 =	sadd.s32 s10, s0  }
0x12: {  	s11 =	sadd.s32 $0x2C200, s14;
	s10 =	smov.u32 s13;
	s13 =	sadd.s32 s13, s26  }
0x13: {  	s14 =	sadd.s32 $0x4200, s14;
	s22 =	sadd.s32 $0x41200, s15;
	s15 =	smax.u32 s1, $0x1  }
0x14: {  	s1 =	simm.s32 $0x0;
	s24 =	sadd.s32 $0x22200, s2;
	s2 =	sadd.s32 $0x18200, s2  }
0x15: {  	s0 =	sadd.s32 $0x40800, s0;
	s22 =	sadd.s32 s17, s22;
	[dreg:$0x6] =	wrdreg s24  }
0x16: {  	v0 =	vimm.f32 $1.000000000e+00;
	[dreg:$0x7] =	wrdreg s2;
	s24 =	sadd.s32 s26, s0;
	s26 =	simm.s32 $0x7000  }
.LBB2_1:
0x17: {  	s0 =	rddreg [dreg:$0x6]  }
0x18: {  	[tilespmem:s6], [sflag:$0x5] =	stream.linear.gather [hbm4b:s0+s6], $0x2800, $0x38;
	[tilespmem:$0x1FD00] =	vst v63  }
0x19: {  	_ =	swait.ge [sflag:s16], $0x2800  }
0x1a: {  	[sflag:s16] =	ssyncset.done $0x0  }
0x1b: {  	s2 =	simm.s32 $0x2800;
	s17 =	rddreg [dreg:$0x7];
	[sflag:s16] =	ssyncadd.s32 $0xFFFFD800  }
0x1c: {  	[tilespmem:s2], [sflag:$0x5] =	stream.linear.gather [hbm4b:s17+s6], $0x2800, $0x38;
	[tilespmem:$0x1FD00] =	vst v63  }
0x1d: {  	_ =	swait.ge [sflag:s16], $0x2800  }
0x1e: {  	[sflag:s16] =	ssyncset.done $0x0  }
0x1f: {  	[sflag:s16] =	ssyncadd.s32 $0xFFFFD800  }
0x20: {  	[tilespmem:s18], [sflag:$0x5] =	stream.linear.gather [hbm4b:s10+s6], $0x2800, $0x38;
	[tilespmem:$0x1FD00] =	vst v63  }
0x21: {  	_ =	swait.ge [sflag:s16], $0x2800  }
0x22: {  	[sflag:s16] =	ssyncset.done $0x0  }
0x23: {  	[sflag:s16] =	ssyncadd.s32 $0xFFFFD800  }
0x24: {  	s7 =	rddreg [dreg:$0x1]  }
0x25: {  	[tilespmem:s19], [sflag:$0x5] =	stream.linear.gather [hbm4b:s7+s6], $0x280, $0x38;
	[tilespmem:$0x1FD00] =	vst v63  }
0x26: {  	s8 =	stileid.u32;
	_ =	swait.ge [sflag:s16], $0x280  }
0x27: {  	s0 =	sshll.u32 s8, $0x6;
	[sflag:s16] =	ssyncset.done $0x0;
	s9 =	rddreg [dreg:$0x8]  }
0x28: {  	s17 =	sor.u32 $0x1C05, s0;
	[sflag:s16] =	ssyncadd.s32 $0xFFFFFD80;
	s0 =	sshrl.u32 s9, $0x3  }
0x29: {  	[spmem:s0], [sflag:s17] =	dma.local [hbm:s11], $0x1400  }
0x2a: {  	_ =	swait.ge [sflag:s16], $0x1400  }
0x2b: {  	[sflag:s16] =	ssyncset.done $0x0  }
0x2c: {  	s2 =	sshrl.u32 s12, $0x3;
	[sflag:s16] =	ssyncadd.s32 $0xFFFFEC00  }
0x2d: {  	[spmem:s2], [sflag:s17] =	dma.local [hbm:s13], $0x50  }
0x2e: {  	_ =	swait.ge [sflag:s16], $0x50  }
0x2f: {  	[sflag:s16] =	ssyncset.done $0x0  }
0x30: {  	[sflag:s16] =	ssyncadd.s32 $0xFFFFFFB0  }
0x31: {  	[spmem:s20], [sflag:s17] =	dma.local [hbm:s14], $0x1400  }
0x32: {  	_ =	swait.ge [sflag:s16], $0x1400  }
0x33: {  	[sflag:s16] =	ssyncset.done $0x0  }
0x34: {  	[sflag:s16] =	ssyncadd.s32 $0xFFFFEC00  }
0x35: {  	[bflag:$0x0] =	sbarrier.arrive $0xFFFF  }
0x36: {  	[tilespmem:s23], [sflag:$0x1] =	stream.indirect.gather [spmem:s5], $0x40, s6, s21, $0xb8;
	[tilespmem:$0x1FD00] =	vst v63  }
0x37: {  	_ =	swait.ge [sflag:s25], $0x2000  }
0x38: {  	[sflag:s25] =	ssyncset.done $0x0  }
0x39: {  	s8 =	simm.s32 $0x0;
	[sflag:s25] =	ssyncadd.s32 $0xFFFFE000  }
.LBB2_2:
0x3a: {  	s7 =	sshra.s32 s8, $0x2  }
0x3b: {  	s9 =	sadd.s32 $0x80, s7  }
0x3c: {  	[tilespmem:s26], [sflag:$0x2] =	stream.indirect.gather [spmem:s5], $0x40, s9, s21, $0xb8;
	[tilespmem:$0x1FD00] =	vst v63  }
0x3d: {  	s9 =	sadd.s32 $0x2800, s7  }
0x3e: {  	[spmem:s3] =	stream.indirect.scatter.add.f32 [tilespmem:s23], [sflag:$0x3], $0x40, s9, s21, $0xb8;
	[tilespmem:$0x1FD00] =	vst v63  }
0x3f: {  	v1 =	vld [tilespmem:s7+$0x2800];
	_ =	sdelay $0x7  }
0x40: {  	[tilespmem:v1+s18+$0x0] =	vst.idx.add.f32.msk $0xffff, v0  }
0x41: {  	v1 =	vld [tilespmem:s7+$0x2810];
	_ =	sdelay $0x7  }
0x42: {  	[tilespmem:v1+s18+$0x0] =	vst.idx.add.f32.msk $0xffff, v0  }
0x43: {  	v1 =	vld [tilespmem:s7+$0x2820];
	_ =	sdelay $0x7  }
0x44: {  	[tilespmem:v1+s18+$0x0] =	vst.idx.add.f32.msk $0xffff, v0  }
0x45: {  	v1 =	vld [tilespmem:s7+$0x2830];
	_ =	sdelay $0x7  }
0x46: {  	[tilespmem:v1+s18+$0x0] =	vst.idx.add.f32.msk $0xffff, v0  }
0x47: {  	v1 =	vld [tilespmem:s7+$0x2840];
	_ =	sdelay $0x7  }
0x48: {  	[tilespmem:v1+s18+$0x0] =	vst.idx.add.f32.msk $0xffff, v0  }
0x49: {  	v1 =	vld [tilespmem:s7+$0x2850];
	_ =	sdelay $0x7  }
0x4a: {  	[tilespmem:v1+s18+$0x0] =	vst.idx.add.f32.msk $0xffff, v0  }
0x4b: {  	v1 =	vld [tilespmem:s7+$0x2860];
	_ =	sdelay $0x7  }
0x4c: {  	[tilespmem:v1+s18+$0x0] =	vst.idx.add.f32.msk $0xffff, v0  }
0x4d: {  	v1 =	vld [tilespmem:s7+$0x2870];
	_ =	sdelay $0x7  }
0x4e: {  	[tilespmem:v1+s18+$0x0] =	vst.idx.add.f32.msk $0xffff, v0  }
0x4f: {  	_ =	swait.ge [sflag:s28], $0x2000  }
0x50: {  	[sflag:s28] =	ssyncset.done $0x0  }
0x51: {  	[sflag:s28] =	ssyncadd.s32 $0xFFFFE000  }
0x52: {  	_ =	swait.ge [sflag:s29], $0x2000  }
0x53: {  	[sflag:s29] =	ssyncset.done $0x0  }
0x54: {  	s9 =	sadd.s32 $0x100, s7;
	[sflag:s29] =	ssyncadd.s32 $0xFFFFE000  }
0x55: {  	[tilespmem:s23], [sflag:$0x1] =	stream.indirect.gather [spmem:s5], $0x40, s9, s21, $0xb8;
	[tilespmem:$0x1FD00] =	vst v63  }
0x56: {  	s9 =	sadd.s32 $0x2880, s7  }
0x57: {  	[spmem:s3] =	stream.indirect.scatter.add.f32 [tilespmem:s26], [sflag:$0x4], $0x40, s9, s21, $0xb8;
	[tilespmem:$0x1FD00] =	vst v63  }
0x58: {  	v1 =	vld [tilespmem:s7+$0x2880];
	_ =	sdelay $0x7  }
0x59: {  	[tilespmem:v1+s18+$0x0] =	vst.idx.add.f32.msk $0xffff, v0  }
0x5a: {  	v1 =	vld [tilespmem:s7+$0x2890];
	_ =	sdelay $0x7  }
0x5b: {  	[tilespmem:v1+s18+$0x0] =	vst.idx.add.f32.msk $0xffff, v0  }
0x5c: {  	v1 =	vld [tilespmem:s7+$0x28A0];
	_ =	sdelay $0x7  }
0x5d: {  	[tilespmem:v1+s18+$0x0] =	vst.idx.add.f32.msk $0xffff, v0  }
0x5e: {  	v1 =	vld [tilespmem:s7+$0x28B0];
	_ =	sdelay $0x7  }
0x5f: {  	[tilespmem:v1+s18+$0x0] =	vst.idx.add.f32.msk $0xffff, v0  }
0x60: {  	v1 =	vld [tilespmem:s7+$0x28C0];
	_ =	sdelay $0x7  }
0x61: {  	[tilespmem:v1+s18+$0x0] =	vst.idx.add.f32.msk $0xffff, v0  }
0x62: {  	v1 =	vld [tilespmem:s7+$0x28D0];
	_ =	sdelay $0x7  }
0x63: {  	[tilespmem:v1+s18+$0x0] =	vst.idx.add.f32.msk $0xffff, v0  }
0x64: {  	v1 =	vld [tilespmem:s7+$0x28E0];
	_ =	sdelay $0x7  }
0x65: {  	[tilespmem:v1+s18+$0x0] =	vst.idx.add.f32.msk $0xffff, v0  }
0x66: {  	v1 =	vld [tilespmem:s7+$0x28F0];
	_ =	sdelay $0x7  }
0x67: {  	[tilespmem:v1+s18+$0x0] =	vst.idx.add.f32.msk $0xffff, v0  }
0x68: {  	p0 =	sne.s32 s8, $0x9800;
	_ =	swait.ge [sflag:s25], $0x2000  }
.Ltmp0:
0x69: {  	[sflag:s25] =	ssyncset.done $0x0;
	(pc) =	sbr.rel @p0 .LBB2_2-.Ltmp0, $4  }
0x6a: {  	[sflag:s25] =	ssyncadd.s32 $0xFFFFE000  }
0x6b: {  	_ =	swait.ge [sflag:s30], $0x2000  }
0x6c: {  	[sflag:s30] =	ssyncset.done $0x0  }
0x6d: {  	s8 =	sadd.s32 $0x400, s8;
	[sflag:s30] =	ssyncadd.s32 $0xFFFFE000  }
0x6e: {  	[tilespmem:s26], [sflag:$0x2] =	stream.indirect.gather [spmem:s5], $0x40, s31, s21, $0xb8;
	[tilespmem:$0x1FD00] =	vst v63  }
0x6f: {  	s7 =	simm.s32 $0x4F00  }
0x70: {  	[spmem:s3] =	stream.indirect.scatter.add.f32 [tilespmem:s23], [sflag:$0x3], $0x40, s7, s21, $0xb8;
	[tilespmem:$0x1FD00] =	vst v63  }
0x71: {  	v1 =	vld [tilespmem:$0x4F00];
	_ =	sdelay $0x7  }
0x72: {  	[tilespmem:v1+s18+$0x0] =	vst.idx.add.f32.msk $0xffff, v0  }
0x73: {  	v1 =	vld [tilespmem:$0x4F10];
	_ =	sdelay $0x7  }
0x74: {  	[tilespmem:v1+s18+$0x0] =	vst.idx.add.f32.msk $0xffff, v0  }
0x75: {  	v1 =	vld [tilespmem:$0x4F20];
	_ =	sdelay $0x7  }
0x76: {  	[tilespmem:v1+s18+$0x0] =	vst.idx.add.f32.msk $0xffff, v0  }
0x77: {  	v1 =	vld [tilespmem:$0x4F30];
	_ =	sdelay $0x7  }
0x78: {  	[tilespmem:v1+s18+$0x0] =	vst.idx.add.f32.msk $0xffff, v0  }
0x79: {  	v1 =	vld [tilespmem:$0x4F40];
	_ =	sdelay $0x7  }
0x7a: {  	[tilespmem:v1+s18+$0x0] =	vst.idx.add.f32.msk $0xffff, v0  }
0x7b: {  	v1 =	vld [tilespmem:$0x4F50];
	_ =	sdelay $0x7  }
0x7c: {  	[tilespmem:v1+s18+$0x0] =	vst.idx.add.f32.msk $0xffff, v0  }
0x7d: {  	v1 =	vld [tilespmem:$0x4F60];
	_ =	sdelay $0x7  }
0x7e: {  	[tilespmem:v1+s18+$0x0] =	vst.idx.add.f32.msk $0xffff, v0  }
0x7f: {  	v1 =	vld [tilespmem:$0x4F70];
	_ =	sdelay $0x7  }
0x80: {  	[tilespmem:v1+s18+$0x0] =	vst.idx.add.f32.msk $0xffff, v0  }
0x81: {  	_ =	swait.ge [sflag:s28], $0x2000  }
0x82: {  	[sflag:s28] =	ssyncset.done $0x0  }
0x83: {  	[sflag:s28] =	ssyncadd.s32 $0xFFFFE000  }
0x84: {  	_ =	swait.ge [sflag:s29], $0x2000  }
0x85: {  	[sflag:s29] =	ssyncset.done $0x0  }
0x86: {  	[sflag:s29] =	ssyncadd.s32 $0xFFFFE000  }
0x87: {  	[tilespmem:s23], [sflag:$0x1] =	stream.indirect.gather [spmem:s5], $0x40, s31, s21, $0xb8;
	[tilespmem:$0x1FD00] =	vst v63  }
0x88: {  	s8 =	simm.s32 $0x4F80  }
0x89: {  	[spmem:s3] =	stream.indirect.scatter.add.f32 [tilespmem:s26], [sflag:$0x4], $0x40, s8, s21, $0xb8;
	[tilespmem:$0x1FD00] =	vst v63  }
0x8a: {  	v1 =	vld [tilespmem:$0x4F80];
	_ =	sdelay $0x7  }
0x8b: {  	[tilespmem:v1+s18+$0x0] =	vst.idx.add.f32.msk $0xffff, v0  }
0x8c: {  	v1 =	vld [tilespmem:$0x4F90];
	_ =	sdelay $0x7  }
0x8d: {  	[tilespmem:v1+s18+$0x0] =	vst.idx.add.f32.msk $0xffff, v0  }
0x8e: {  	v1 =	vld [tilespmem:$0x4FA0];
	_ =	sdelay $0x7  }
0x8f: {  	[tilespmem:v1+s18+$0x0] =	vst.idx.add.f32.msk $0xffff, v0  }
0x90: {  	v1 =	vld [tilespmem:$0x4FB0];
	_ =	sdelay $0x7  }
0x91: {  	[tilespmem:v1+s18+$0x0] =	vst.idx.add.f32.msk $0xffff, v0  }
0x92: {  	v1 =	vld [tilespmem:$0x4FC0];
	_ =	sdelay $0x7  }
0x93: {  	[tilespmem:v1+s18+$0x0] =	vst.idx.add.f32.msk $0xffff, v0  }
0x94: {  	v1 =	vld [tilespmem:$0x4FD0];
	_ =	sdelay $0x7  }
0x95: {  	[tilespmem:v1+s18+$0x0] =	vst.idx.add.f32.msk $0xffff, v0  }
0x96: {  	v1 =	vld [tilespmem:$0x4FE0];
	_ =	sdelay $0x7  }
0x97: {  	[tilespmem:v1+s18+$0x0] =	vst.idx.add.f32.msk $0xffff, v0  }
0x98: {  	v1 =	vld [tilespmem:$0x4FF0];
	_ =	sdelay $0x7  }
0x99: {  	[tilespmem:v1+s18+$0x0] =	vst.idx.add.f32.msk $0xffff, v0  }
0x9a: {  	_ =	swait.ge [sflag:s25], $0x2000  }
0x9b: {  	[sflag:s25] =	ssyncset.done $0x0  }
0x9c: {  	[sflag:s25] =	ssyncadd.s32 $0xFFFFE000  }
0x9d: {  	_ =	swait.ge [sflag:s30], $0x2000  }
0x9e: {  	[sflag:s30] =	ssyncset.done $0x0  }
0x9f: {  	[sflag:s30] =	ssyncadd.s32 $0xFFFFE000  }
0xa0: {  	[spmem:s4] =	stream.indirect.scatter.add.f32 [tilespmem:s18], [sflag:$0x5], $0x10, s19, s21, $0xb8;
	[tilespmem:$0x1FD00] =	vst v63  }
0xa1: {  	_ =	swait.ge [sflag:s16], $0x800  }
0xa2: {  	[sflag:s16] =	ssyncset.done $0x0  }
0xa3: {  	s9 =	simm.s32 $0xB880;
	s8 =	simm.s32 $0x9800;
	[sflag:s16] =	ssyncadd.s32 $0xFFFFF800  }
0xa4: {  	[spmem:s4] =	stream.indirect.scatter.add.f32 [tilespmem:s8], [sflag:$0x5], $0x10, s9, s21, $0xb8;
	[tilespmem:$0x1FD00] =	vst v63  }
0xa5: {  	_ =	swait.ge [sflag:s16], $0x800  }
0xa6: {  	[sflag:s16] =	ssyncset.done $0x0  }
0xa7: {  	s8 =	simm.s32 $0xB900;
	s9 =	simm.s32 $0xA000;
	[sflag:s16] =	ssyncadd.s32 $0xFFFFF800  }
0xa8: {  	[spmem:s4] =	stream.indirect.scatter.add.f32 [tilespmem:s9], [sflag:$0x5], $0x10, s8, s21, $0xb8;
	[tilespmem:$0x1FD00] =	vst v63  }
0xa9: {  	_ =	swait.ge [sflag:s16], $0x800  }
0xaa: {  	[sflag:s16] =	ssyncset.done $0x0  }
0xab: {  	s8 =	simm.s32 $0xB980;
	s9 =	simm.s32 $0xA800;
	[sflag:s16] =	ssyncadd.s32 $0xFFFFF800  }
0xac: {  	[spmem:s4] =	stream.indirect.scatter.add.f32 [tilespmem:s9], [sflag:$0x5], $0x10, s8, s21, $0xb8;
	[tilespmem:$0x1FD00] =	vst v63  }
0xad: {  	_ =	swait.ge [sflag:s16], $0x800  }
0xae: {  	[sflag:s16] =	ssyncset.done $0x0  }
0xaf: {  	s8 =	simm.s32 $0xBA00;
	s9 =	simm.s32 $0xB000;
	[sflag:s16] =	ssyncadd.s32 $0xFFFFF800  }
0xb0: {  	[spmem:s4] =	stream.indirect.scatter.add.f32 [tilespmem:s9], [sflag:$0x5], $0x10, s8, s21, $0xb8;
	[tilespmem:$0x1FD00] =	vst v63  }
0xb1: {  	_ =	swait.ge [sflag:s16], $0x800  }
0xb2: {  	[sflag:s16] =	ssyncset.done $0x0  }
0xb3: {  	[sflag:s16] =	ssyncadd.s32 $0xFFFFF800  }
0xb4: {  	[bflag:$0x0] =	sbarrier.arrive $0xFFFF  }
0xb5: {  	[hbm:s22], [sflag:s17] =	dma.local [spmem:s0], $0x1400  }
0xb6: {  	s1 =	sadd.s32 $0x1, s1;
	_ =	swait.ge [sflag:s16], $0x1400  }
0xb7: {  	p0 =	sne.s32 s1, s15;
	[sflag:s16] =	ssyncset.done $0x0  }
.Ltmp1:
0xb8: {  	[sflag:s16] =	ssyncadd.s32 $0xFFFFEC00;
	(pc) =	sbr.rel @p0 .LBB2_1-.Ltmp1, $4  }
0xb9: {  	[hbm:s24], [sflag:s17] =	dma.local [spmem:s2], $0x50  }
0xba: {  	_ =	swait.ge [sflag:s16], $0x50  }
0xbb: {  	[sflag:s16] =	ssyncset.done $0x0  }
0xbc: {  	[sflag:s16] =	ssyncadd.s32 $0xFFFFFFB0  }
0xbd: {  	_ =	sfence.sel $0x180000  }
0xbe: {  	[bflag:$0x0] =	sbarrier.arrive $0xFFFF  }
0xbf: {  	_ =	strace $0x90000047  }
0xc0: {  	s0 =	stileid.u32;
	[bflag:$0x2] =	sbarrier.arrive $0xFFFF  }
0xc1: {  	p0 =	sne.s32 s0, $0x0;
	s0 =	rddreg [dreg:$0x5]  }
0xc2: {  	s0 =	sadd.s32 @!p0 $0x100000, s0  }
0xc3: {  	[sflag:s0] =	ssyncadd.tile.s32 @!p0 $0x1;
	_ =	shalt  }
.Lfunc_end2:
_tile_overlayer_lowered:
.L_overlay_start_2:
0xc4: {  	(tag) =	ssettag $0x2  }
0xc5: {  	s0 =	rddreg [dreg:$0x0];
	s2 =	stileid.u32  }
0xc6: {  	s1 =	rddreg [dreg:$0x1];
	p0 =	sne.s32 s2, $0x0  }
0xc7: {  	s3 =	rddreg [dreg:$0x2];
	[bflag:$0x3] =	sbarrier.arrive $0xFFFF;
	s2 =	simm.s32 @!p0 $0x1C05  }
0xc8: {  	[timem:s3], [sflag:s2] =	dma.local @!p0 [hbm:s0], s1  }
0xc9: {  	s0 =	simm.s32 @!p0 $0x5  }
0xca: {  	_ =	swait.ge @!p0 [sflag:s0], s1  }
0xcb: {  	s1 =	ssub.s32 @!p0 $0x0, s1;
	[sflag:s0] =	ssyncset.done @!p0 $0x0  }
0xcc: {  	[sflag:s0] =	ssyncadd.s32 @!p0 s1  }
0xcd: {  	[bflag:$0x3] =	sbarrier.arrive $0xFFFF  }
0xce: {  	_ =	shalt  }

</sc_bundles>
